<compile_context>
chip_gen: v7x
topology: tpu7x:2x2x1
jax: 0.10.2.dev20260603
libtpu: 0.0.44.dev20260713+nightly
codegen_flags: <defaults>
</compile_context>

<pallas_src>
import functools

import jax
import jax.numpy as jnp
from jax import lax
from jax.experimental import pallas as pl
from jax.experimental.pallas import tpu as pltpu
from jax.experimental.pallas import tpu_sc as plsc

NN = 10000
NP = 10240
EE = 320000
DD = 128

NC = 2
NS = 16
NW = NC * NS
EPW = EE // NW
CHUNK = 80
NCHUNK = EPW // CHUNK
RPT = NP // NS

_mesh = plsc.VectorSubcoreMesh(core_axis_name="c", subcore_axis_name="s")


@functools.partial(
    pl.kernel,
    out_type=jax.ShapeDtypeStruct((NC, NP, 16), jnp.float32),
    mesh=_mesh,
    scratch_types=[
        pltpu.VMEM((CHUNK,), jnp.int32),
        pltpu.VMEM((CHUNK, 16), jnp.float32),
        pltpu.VMEM_SHARED((NP, 16), jnp.float32),
    ],
)
def _deg_kernel(dst_hbm, ones_hbm, zeros_hbm, out_hbm, idx_v, ones_v, deg_sh):
    c = lax.axis_index("c")
    s = lax.axis_index("s")
    wid = s * NC + c
    pltpu.sync_copy(zeros_hbm, deg_sh.at[pl.ds(s * RPT, RPT)])
    pltpu.sync_copy(ones_hbm, ones_v)
    plsc.subcore_barrier()

    def body(i, carry):
        base = wid * EPW + i * CHUNK
        pltpu.sync_copy(dst_hbm.at[pl.ds(base, CHUNK)], idx_v)
        pltpu.sync_copy(ones_v, deg_sh.at[idx_v], add=True)
        return carry

    lax.fori_loop(0, NCHUNK, body, 0)
    plsc.subcore_barrier()
    pltpu.sync_copy(deg_sh.at[pl.ds(s * RPT, RPT)],
                    out_hbm.at[c, pl.ds(s * RPT, RPT)])


@functools.partial(
    pl.kernel,
    out_type=jax.ShapeDtypeStruct((NC, NP, DD), jnp.float32),
    mesh=_mesh,
    scratch_types=[
        pltpu.VMEM((CHUNK,), jnp.int32),
        pltpu.VMEM((CHUNK,), jnp.int32),
        pltpu.VMEM((CHUNK, DD), jnp.float32),
        pltpu.VMEM_SHARED((NP, DD), jnp.float32),
        pltpu.SemaphoreType.DMA,
    ],
)
def _agg_kernel(g_hbm, src_hbm, dst_hbm, zeros_hbm, out_hbm,
                sidx, didx, rows, acc_sh, sem):
    c = lax.axis_index("c")
    s = lax.axis_index("s")
    wid = s * NC + c
    pltpu.sync_copy(zeros_hbm, acc_sh.at[pl.ds(s * RPT, RPT)])
    plsc.subcore_barrier()

    def body(i, carry):
        base = wid * EPW + i * CHUNK
        pltpu.sync_copy(src_hbm.at[pl.ds(base, CHUNK)], sidx)
        pltpu.sync_copy(dst_hbm.at[pl.ds(base, CHUNK)], didx)
        pltpu.async_copy(g_hbm.at[sidx], rows, sem).wait()
        pltpu.sync_copy(rows, acc_sh.at[didx], add=True)
        return carry

    lax.fori_loop(0, NCHUNK, body, 0)
    plsc.subcore_barrier()
    pltpu.sync_copy(acc_sh.at[pl.ds(s * RPT, RPT)],
                    out_hbm.at[c, pl.ds(s * RPT, RPT)])


_ROWS_BLK = 1024
_GRID = NP // _ROWS_BLK


def _dis_from(deg_ref):
    deg = 1.0 + deg_ref[0, :, 0:1] + deg_ref[1, :, 0:1]
    return lax.rsqrt(deg)


def _tc1_body(deg_ref, x_ref, w_ref, g_ref):
    dis = _dis_from(deg_ref)
    h = jnp.dot(x_ref[...], w_ref[...], preferred_element_type=jnp.float32)
    g_ref[...] = dis * h


def _tc2_body(deg_ref, acc_ref, g1_ref, b1_ref, w2_ref, g2_ref):
    dis = _dis_from(deg_ref)
    h = dis * (acc_ref[0] + acc_ref[1] + g1_ref[...]) + b1_ref[...]
    h = jnp.maximum(h, 0.0)
    g2_ref[...] = dis * jnp.dot(h, w2_ref[...],
                                preferred_element_type=jnp.float32)


def _tc3_body(deg_ref, acc_ref, g2_ref, b2_ref, out_ref):
    dis = _dis_from(deg_ref)
    t = dis * (acc_ref[0] + acc_ref[1] + g2_ref[...]) + b2_ref[...]
    m = jnp.max(t, axis=1, keepdims=True)
    lse = jnp.log(jnp.sum(jnp.exp(t - m), axis=1, keepdims=True)) + m
    out_ref[...] = t - lse


_deg_spec = pl.BlockSpec((NC, _ROWS_BLK, 16), lambda i: (0, i, 0))
_acc_spec = pl.BlockSpec((NC, _ROWS_BLK, DD), lambda i: (0, i, 0))
_row_spec = pl.BlockSpec((_ROWS_BLK, DD), lambda i: (i, 0))
_mat_spec = pl.BlockSpec((DD, DD), lambda i: (0, 0))
_vec_spec = pl.BlockSpec((1, DD), lambda i: (0, 0))
_out_row = jax.ShapeDtypeStruct((NP, DD), jnp.float32)

_tc1 = pl.pallas_call(
    _tc1_body, grid=(_GRID,),
    in_specs=[_deg_spec, _row_spec, _mat_spec],
    out_specs=_row_spec, out_shape=_out_row)

_tc2 = pl.pallas_call(
    _tc2_body, grid=(_GRID,),
    in_specs=[_deg_spec, _acc_spec, _row_spec, _vec_spec, _mat_spec],
    out_specs=_row_spec, out_shape=_out_row)

_tc3 = pl.pallas_call(
    _tc3_body, grid=(_GRID,),
    in_specs=[_deg_spec, _acc_spec, _row_spec, _vec_spec],
    out_specs=_row_spec, out_shape=_out_row)


def kernel(x, edge_index, W1, b1, W2, b2):
    src = edge_index[0].astype(jnp.int32)
    dst = edge_index[1].astype(jnp.int32)
    xp = jnp.pad(x, ((0, NP - NN), (0, 0)))
    ones16 = jnp.ones((CHUNK, 16), jnp.float32)
    zeros16 = jnp.zeros((RPT, 16), jnp.float32)
    zerosD = jnp.zeros((RPT, DD), jnp.float32)
    b1r = b1.reshape(1, DD)
    b2r = b2.reshape(1, DD)

    deg = _deg_kernel(dst, ones16, zeros16)
    g1 = _tc1(deg, xp, W1)
    acc1 = _agg_kernel(g1, src, dst, zerosD)
    g2 = _tc2(deg, acc1, g1, b1r, W2)
    acc2 = _agg_kernel(g2, src, dst, zerosD)
    return _tc3(deg, acc2, g2, b2r)[:NN]

# --- scband reference (transcript-rebuilt; emitter-appended) ---
"""Pipeline reference for scband-simple-gcn-88914412962245 (READ-ONLY COPY).

The authoritative reference and input builder live on the scoring server;
editing this copy changes nothing except your own understanding.
"""

import jax, jax.numpy as jnp
import numpy as np

N = 10000
E = 320000
D_IN = 128
D_HID = 128
D_OUT = 128


def setup_inputs(seed: int = 0) -> dict:
    key = jax.random.key(seed)
    k1, k2, k3, k4 = jax.random.split(key, 4)
    x = jax.random.normal(k1, (N, D_IN), dtype=jnp.float32)
    edge_index = jax.random.randint(k2, (2, E), 0, N)
    W1 = jax.random.normal(k3, (D_IN, D_HID), dtype=jnp.float32) * (1.0 / np.sqrt(D_IN))
    b1 = jnp.zeros((D_HID,), dtype=jnp.float32)
    W2 = jax.random.normal(k4, (D_HID, D_OUT), dtype=jnp.float32) * (1.0 / np.sqrt(D_HID))
    b2 = jnp.zeros((D_OUT,), dtype=jnp.float32)
    return {"x": x, "edge_index": edge_index, "W1": W1, "b1": b1, "W2": W2, "b2": b2}


def gcn_conv(x, edge_index, W, b):
    # Faithful GCNConv: add self-loops, symmetric normalization D^{-1/2}(A+I)D^{-1/2} X W + b
    n = x.shape[0]
    loops = jnp.arange(n, dtype=edge_index.dtype)
    row = jnp.concatenate([edge_index[0], loops])  # src
    col = jnp.concatenate([edge_index[1], loops])  # dst
    deg = jax.ops.segment_sum(jnp.ones_like(col, dtype=x.dtype), col, num_segments=n)
    deg_inv_sqrt = jnp.where(deg > 0, jax.lax.rsqrt(jnp.maximum(deg, 1e-12)), 0.0)
    norm = deg_inv_sqrt[row] * deg_inv_sqrt[col]
    h = x @ W
    msg = norm[:, None] * jnp.take(h, row, axis=0)
    out = jax.ops.segment_sum(msg, col, num_segments=n)
    return out + b


def reference(x, edge_index, W1, b1, W2, b2):
    h = gcn_conv(x, edge_index, W1, b1)
    h = jax.nn.relu(h)
    h = gcn_conv(h, edge_index, W2, b2)
    return jax.nn.log_softmax(h, axis=1)

if __name__ == "__main__":
    import jax
    _d = setup_inputs()
    print(jax.jit(kernel)(*tuple(_d.values())))

</pallas_src>

<mosaic_0001>
#map = affine_map<(d0, d1) -> (0)>
#map1 = affine_map<(d0, d1) -> (0, 0)>
#map2 = affine_map<(d0, d1) -> (0, 0, 0)>
module attributes {stable_mosaic.version = 14 : i64} {
  func.func @_deg_kernel(%arg0: i32, %arg1: i32, %arg2: memref<320000xi32, #tpu.memory_space<hbm>>, %arg3: memref<80x16xf32, #tpu.memory_space<hbm>>, %arg4: memref<640x16xf32, #tpu.memory_space<hbm>>, %arg5: memref<2x10240x16xf32, #tpu.memory_space<hbm>>, %arg6: memref<80xi32, #tpu.memory_space<vmem>>, %arg7: memref<80x16xf32, #tpu.memory_space<vmem>>, %arg8: memref<10240x16xf32, #tpu.memory_space<vmem_shared>>) attributes {dimension_semantics = [#tpu.dimension_semantics<core_parallel>, #tpu.dimension_semantics<subcore_parallel>], iteration_bounds = array<i64: 2, 16>, scalar_prefetch = 0 : i64, scratch_operands = 3 : i64, tpu.core_type = #tpu.core_type<sc_vector_subcore>, window_params = [{transform_indices = #map}, {transform_indices = #map1}, {transform_indices = #map1}, {transform_indices = #map2}]} {
    %mul3A = arith.constant 2 : i32
    %mul3A_0 = arith.muli %arg1, %mul3A : i32
    %add3A = arith.addi %mul3A_0, %arg0 : i32
    %mul3A_1 = arith.constant 640 : i32
    %mul3A_2 = arith.muli %arg1, %mul3A_1 : i32
    "tpu.region"() ({
      %run_scoped3A = tpu.sem_alloc : memref<!tpu.dma_semaphore, #tpu.memory_space<semaphore_mem>>
      %dma_start3A = arith.constant 0 : i32
      %dma_start3A_13 = tpu.memref_slice %arg8[%mul3A_2, %dma_start3A] : memref<10240x16xf32, #tpu.memory_space<vmem_shared>> -> memref<640x16xf32, #tpu.memory_space<vmem_shared>>
      tpu.enqueue_dma source(%arg4 : memref<640x16xf32, #tpu.memory_space<hbm>>) target(%dma_start3A_13 : memref<640x16xf32, #tpu.memory_space<vmem_shared>>) target_semaphore(%run_scoped3A : memref<!tpu.dma_semaphore, #tpu.memory_space<semaphore_mem>>)
      %dma_wait3A = arith.constant 0 : i32
      %dma_wait3A_14 = tpu.memref_slice %arg8[%mul3A_2, %dma_wait3A] : memref<10240x16xf32, #tpu.memory_space<vmem_shared>> -> memref<640x16xf32, #tpu.memory_space<vmem_shared>>
      tpu.wait_dma2 semaphore(%run_scoped3A : memref<!tpu.dma_semaphore, #tpu.memory_space<semaphore_mem>>) src(%arg4 : memref<640x16xf32, #tpu.memory_space<hbm>>) dst(%dma_wait3A_14 : memref<640x16xf32, #tpu.memory_space<vmem_shared>>)
      tpu.yield
    }) : () -> ()
    "tpu.region"() ({
      %run_scoped3A = tpu.sem_alloc : memref<!tpu.dma_semaphore, #tpu.memory_space<semaphore_mem>>
      tpu.enqueue_dma source(%arg3 : memref<80x16xf32, #tpu.memory_space<hbm>>) target(%arg7 : memref<80x16xf32, #tpu.memory_space<vmem>>) target_semaphore(%run_scoped3A : memref<!tpu.dma_semaphore, #tpu.memory_space<semaphore_mem>>)
      tpu.wait_dma2 semaphore(%run_scoped3A : memref<!tpu.dma_semaphore, #tpu.memory_space<semaphore_mem>>) src(%arg3 : memref<80x16xf32, #tpu.memory_space<hbm>>) dst(%arg7 : memref<80x16xf32, #tpu.memory_space<vmem>>)
      tpu.yield
    }) : () -> ()
    %barrier3A = arith.constant 0 : index
    tpu.barrier barrier_id(%barrier3A)
    %scan3A = arith.constant 0 : i32
    %scan3A_3 = arith.constant 0 : i32
    %scan3A_4 = arith.constant 125 : i32
    %scan3A_5 = arith.addi %scan3A_3, %scan3A_4 : i32
    %scan3A_6 = arith.constant 1 : i32
    scf.for %scan3A_13 = %scan3A_3 to %scan3A_5 step %scan3A_6  : i32 {
      %mul3A_14 = arith.constant 10000 : i32
      %mul3A_15 = arith.muli %add3A, %mul3A_14 : i32
      %mul3A_16 = arith.constant 80 : i32
      %mul3A_17 = arith.muli %scan3A_13, %mul3A_16 : i32
      %add3A_18 = arith.addi %mul3A_15, %mul3A_17 : i32
      "tpu.region"() ({
        %run_scoped3A = tpu.sem_alloc : memref<!tpu.dma_semaphore, #tpu.memory_space<semaphore_mem>>
        %dma_start3A = tpu.memref_slice %arg2[%add3A_18] : memref<320000xi32, #tpu.memory_space<hbm>> -> memref<80xi32, #tpu.memory_space<hbm>>
        %dma_start3A_19 = tpu.memref_slice %arg2[%add3A_18] : memref<320000xi32, #tpu.memory_space<hbm>> -> memref<80xi32, #tpu.memory_space<hbm>>
        tpu.enqueue_dma source(%dma_start3A_19 : memref<80xi32, #tpu.memory_space<hbm>>) target(%arg6 : memref<80xi32, #tpu.memory_space<vmem>>) target_semaphore(%run_scoped3A : memref<!tpu.dma_semaphore, #tpu.memory_space<semaphore_mem>>)
        %dma_wait3A = tpu.memref_slice %arg2[%add3A_18] : memref<320000xi32, #tpu.memory_space<hbm>> -> memref<80xi32, #tpu.memory_space<hbm>>
        %dma_wait3A_20 = tpu.memref_slice %arg2[%add3A_18] : memref<320000xi32, #tpu.memory_space<hbm>> -> memref<80xi32, #tpu.memory_space<hbm>>
        tpu.wait_dma2 semaphore(%run_scoped3A : memref<!tpu.dma_semaphore, #tpu.memory_space<semaphore_mem>>) src(%dma_wait3A_20 : memref<80xi32, #tpu.memory_space<hbm>>) dst(%arg6 : memref<80xi32, #tpu.memory_space<vmem>>)
        tpu.yield
      }) : () -> ()
      "tpu.region"() ({
        %run_scoped3A = tpu.sem_alloc : memref<!tpu.dma_semaphore, #tpu.memory_space<semaphore_mem>>
        %dma_start3A = arith.constant 0 : i32
        %dma_start3A_19 = arith.constant 0 : i32
        %dma_start3A_20 = tpu.memref_slice %arg8[%dma_start3A, %dma_start3A_19] : memref<10240x16xf32, #tpu.memory_space<vmem_shared>> -> memref<10240x16xf32, #tpu.memory_space<vmem_shared>>
        tpu.enqueue_indirect_dma source(%arg7 : memref<80x16xf32, #tpu.memory_space<vmem>>) target(%dma_start3A_20 : memref<10240x16xf32, #tpu.memory_space<vmem_shared>>) offsets(%arg6 : memref<80xi32, #tpu.memory_space<vmem>>) semaphore(%run_scoped3A : memref<!tpu.dma_semaphore, #tpu.memory_space<semaphore_mem>>) {add = true}
        %dma_wait3A = arith.constant 0 : i32
        %dma_wait3A_21 = arith.constant 0 : i32
        %dma_wait3A_22 = tpu.memref_slice %arg8[%dma_wait3A, %dma_wait3A_21] : memref<10240x16xf32, #tpu.memory_space<vmem_shared>> -> memref<10240x16xf32, #tpu.memory_space<vmem_shared>>
        tpu.wait_indirect_dma semaphore(%run_scoped3A : memref<!tpu.dma_semaphore, #tpu.memory_space<semaphore_mem>>) src(%arg7 : memref<80x16xf32, #tpu.memory_space<vmem>>) dst(%dma_wait3A_22 : memref<10240x16xf32, #tpu.memory_space<vmem_shared>>)
        tpu.yield
      }) : () -> ()
    }
    %scan3A_7 = arith.constant 125 : i32
    %barrier3A_8 = arith.constant 0 : index
    tpu.barrier barrier_id(%barrier3A_8)
    %mul3A_9 = arith.constant 640 : i32
    %mul3A_10 = arith.muli %arg1, %mul3A_9 : i32
    %mul3A_11 = arith.constant 640 : i32
    %mul3A_12 = arith.muli %arg1, %mul3A_11 : i32
    "tpu.region"() ({
      %run_scoped3A = tpu.sem_alloc : memref<!tpu.dma_semaphore, #tpu.memory_space<semaphore_mem>>
      %dma_start3A = arith.constant 0 : i32
      %dma_start3A_13 = tpu.memref_slice %arg5[%arg0, %mul3A_12, %dma_start3A] : memref<2x10240x16xf32, #tpu.memory_space<hbm>> -> memref<1x640x16xf32, #tpu.memory_space<hbm>>
      %dma_start3A_14 = tpu.memref_squeeze %dma_start3A_13 : memref<1x640x16xf32, #tpu.memory_space<hbm>> -> memref<640x16xf32, #tpu.memory_space<hbm>>
      %dma_start3A_15 = arith.constant 0 : i32
      %dma_start3A_16 = tpu.memref_slice %arg8[%mul3A_10, %dma_start3A_15] : memref<10240x16xf32, #tpu.memory_space<vmem_shared>> -> memref<640x16xf32, #tpu.memory_space<vmem_shared>>
      tpu.enqueue_dma source(%dma_start3A_16 : memref<640x16xf32, #tpu.memory_space<vmem_shared>>) target(%dma_start3A_14 : memref<640x16xf32, #tpu.memory_space<hbm>>) target_semaphore(%run_scoped3A : memref<!tpu.dma_semaphore, #tpu.memory_space<semaphore_mem>>)
      %dma_wait3A = arith.constant 0 : i32
      %dma_wait3A_17 = tpu.memref_slice %arg5[%arg0, %mul3A_12, %dma_wait3A] : memref<2x10240x16xf32, #tpu.memory_space<hbm>> -> memref<1x640x16xf32, #tpu.memory_space<hbm>>
      %dma_wait3A_18 = tpu.memref_squeeze %dma_wait3A_17 : memref<1x640x16xf32, #tpu.memory_space<hbm>> -> memref<640x16xf32, #tpu.memory_space<hbm>>
      %dma_wait3A_19 = arith.constant 0 : i32
      %dma_wait3A_20 = tpu.memref_slice %arg8[%mul3A_10, %dma_wait3A_19] : memref<10240x16xf32, #tpu.memory_space<vmem_shared>> -> memref<640x16xf32, #tpu.memory_space<vmem_shared>>
      tpu.wait_dma2 semaphore(%run_scoped3A : memref<!tpu.dma_semaphore, #tpu.memory_space<semaphore_mem>>) src(%dma_wait3A_20 : memref<640x16xf32, #tpu.memory_space<vmem_shared>>) dst(%dma_wait3A_18 : memref<640x16xf32, #tpu.memory_space<hbm>>)
      tpu.yield
    }) : () -> ()
    return
  }
}

#map = affine_map<(d0, d1) -> (0, 0)>
#map1 = affine_map<(d0, d1) -> (0)>
#map2 = affine_map<(d0, d1) -> (0, 0, 0)>
module attributes {stable_mosaic.version = 14 : i64} {
  func.func @_agg_kernel(%arg0: i32, %arg1: i32, %arg2: memref<10240x128xf32, #tpu.memory_space<hbm>>, %arg3: memref<320000xi32, #tpu.memory_space<hbm>>, %arg4: memref<320000xi32, #tpu.memory_space<hbm>>, %arg5: memref<640x128xf32, #tpu.memory_space<hbm>>, %arg6: memref<2x10240x128xf32, #tpu.memory_space<hbm>>, %arg7: memref<80xi32, #tpu.memory_space<vmem>>, %arg8: memref<80xi32, #tpu.memory_space<vmem>>, %arg9: memref<80x128xf32, #tpu.memory_space<vmem>>, %arg10: memref<10240x128xf32, #tpu.memory_space<vmem_shared>>, %arg11: memref<!tpu.dma_semaphore, #tpu.memory_space<semaphore_mem>>) attributes {dimension_semantics = [#tpu.dimension_semantics<core_parallel>, #tpu.dimension_semantics<subcore_parallel>], iteration_bounds = array<i64: 2, 16>, scalar_prefetch = 0 : i64, scratch_operands = 5 : i64, tpu.core_type = #tpu.core_type<sc_vector_subcore>, window_params = [{transform_indices = #map}, {transform_indices = #map1}, {transform_indices = #map1}, {transform_indices = #map}, {transform_indices = #map2}]} {
    %mul3A = arith.constant 2 : i32
    %mul3A_0 = arith.muli %arg1, %mul3A : i32
    %add3A = arith.addi %mul3A_0, %arg0 : i32
    %mul3A_1 = arith.constant 640 : i32
    %mul3A_2 = arith.muli %arg1, %mul3A_1 : i32
    "tpu.region"() ({
      %run_scoped3A = tpu.sem_alloc : memref<!tpu.dma_semaphore, #tpu.memory_space<semaphore_mem>>
      %dma_start3A = arith.constant 0 : i32
      %dma_start3A_13 = tpu.memref_slice %arg10[%mul3A_2, %dma_start3A] : memref<10240x128xf32, #tpu.memory_space<vmem_shared>> -> memref<640x128xf32, #tpu.memory_space<vmem_shared>>
      tpu.enqueue_dma source(%arg5 : memref<640x128xf32, #tpu.memory_space<hbm>>) target(%dma_start3A_13 : memref<640x128xf32, #tpu.memory_space<vmem_shared>>) target_semaphore(%run_scoped3A : memref<!tpu.dma_semaphore, #tpu.memory_space<semaphore_mem>>)
      %dma_wait3A = arith.constant 0 : i32
      %dma_wait3A_14 = tpu.memref_slice %arg10[%mul3A_2, %dma_wait3A] : memref<10240x128xf32, #tpu.memory_space<vmem_shared>> -> memref<640x128xf32, #tpu.memory_space<vmem_shared>>
      tpu.wait_dma2 semaphore(%run_scoped3A : memref<!tpu.dma_semaphore, #tpu.memory_space<semaphore_mem>>) src(%arg5 : memref<640x128xf32, #tpu.memory_space<hbm>>) dst(%dma_wait3A_14 : memref<640x128xf32, #tpu.memory_space<vmem_shared>>)
      tpu.yield
    }) : () -> ()
    %barrier3A = arith.constant 0 : index
    tpu.barrier barrier_id(%barrier3A)
    %scan3A = arith.constant 0 : i32
    %scan3A_3 = arith.constant 0 : i32
    %scan3A_4 = arith.constant 125 : i32
    %scan3A_5 = arith.addi %scan3A_3, %scan3A_4 : i32
    %scan3A_6 = arith.constant 1 : i32
    scf.for %scan3A_13 = %scan3A_3 to %scan3A_5 step %scan3A_6  : i32 {
      %mul3A_14 = arith.constant 10000 : i32
      %mul3A_15 = arith.muli %add3A, %mul3A_14 : i32
      %mul3A_16 = arith.constant 80 : i32
      %mul3A_17 = arith.muli %scan3A_13, %mul3A_16 : i32
      %add3A_18 = arith.addi %mul3A_15, %mul3A_17 : i32
      "tpu.region"() ({
        %run_scoped3A = tpu.sem_alloc : memref<!tpu.dma_semaphore, #tpu.memory_space<semaphore_mem>>
        %dma_start3A_23 = tpu.memref_slice %arg3[%add3A_18] : memref<320000xi32, #tpu.memory_space<hbm>> -> memref<80xi32, #tpu.memory_space<hbm>>
        %dma_start3A_24 = tpu.memref_slice %arg3[%add3A_18] : memref<320000xi32, #tpu.memory_space<hbm>> -> memref<80xi32, #tpu.memory_space<hbm>>
        tpu.enqueue_dma source(%dma_start3A_24 : memref<80xi32, #tpu.memory_space<hbm>>) target(%arg7 : memref<80xi32, #tpu.memory_space<vmem>>) target_semaphore(%run_scoped3A : memref<!tpu.dma_semaphore, #tpu.memory_space<semaphore_mem>>)
        %dma_wait3A_25 = tpu.memref_slice %arg3[%add3A_18] : memref<320000xi32, #tpu.memory_space<hbm>> -> memref<80xi32, #tpu.memory_space<hbm>>
        %dma_wait3A_26 = tpu.memref_slice %arg3[%add3A_18] : memref<320000xi32, #tpu.memory_space<hbm>> -> memref<80xi32, #tpu.memory_space<hbm>>
        tpu.wait_dma2 semaphore(%run_scoped3A : memref<!tpu.dma_semaphore, #tpu.memory_space<semaphore_mem>>) src(%dma_wait3A_26 : memref<80xi32, #tpu.memory_space<hbm>>) dst(%arg7 : memref<80xi32, #tpu.memory_space<vmem>>)
        tpu.yield
      }) : () -> ()
      "tpu.region"() ({
        %run_scoped3A = tpu.sem_alloc : memref<!tpu.dma_semaphore, #tpu.memory_space<semaphore_mem>>
        %dma_start3A_23 = tpu.memref_slice %arg4[%add3A_18] : memref<320000xi32, #tpu.memory_space<hbm>> -> memref<80xi32, #tpu.memory_space<hbm>>
        %dma_start3A_24 = tpu.memref_slice %arg4[%add3A_18] : memref<320000xi32, #tpu.memory_space<hbm>> -> memref<80xi32, #tpu.memory_space<hbm>>
        tpu.enqueue_dma source(%dma_start3A_24 : memref<80xi32, #tpu.memory_space<hbm>>) target(%arg8 : memref<80xi32, #tpu.memory_space<vmem>>) target_semaphore(%run_scoped3A : memref<!tpu.dma_semaphore, #tpu.memory_space<semaphore_mem>>)
        %dma_wait3A_25 = tpu.memref_slice %arg4[%add3A_18] : memref<320000xi32, #tpu.memory_space<hbm>> -> memref<80xi32, #tpu.memory_space<hbm>>
        %dma_wait3A_26 = tpu.memref_slice %arg4[%add3A_18] : memref<320000xi32, #tpu.memory_space<hbm>> -> memref<80xi32, #tpu.memory_space<hbm>>
        tpu.wait_dma2 semaphore(%run_scoped3A : memref<!tpu.dma_semaphore, #tpu.memory_space<semaphore_mem>>) src(%dma_wait3A_26 : memref<80xi32, #tpu.memory_space<hbm>>) dst(%arg8 : memref<80xi32, #tpu.memory_space<vmem>>)
        tpu.yield
      }) : () -> ()
      %dma_start3A = arith.constant 0 : i32
      %dma_start3A_19 = arith.constant 0 : i32
      %dma_start3A_20 = tpu.memref_slice %arg2[%dma_start3A, %dma_start3A_19] : memref<10240x128xf32, #tpu.memory_space<hbm>> -> memref<10240x128xf32, #tpu.memory_space<hbm>>
      tpu.enqueue_indirect_dma source(%dma_start3A_20 : memref<10240x128xf32, #tpu.memory_space<hbm>>) target(%arg9 : memref<80x128xf32, #tpu.memory_space<vmem>>) offsets(%arg7 : memref<80xi32, #tpu.memory_space<vmem>>) semaphore(%arg11 : memref<!tpu.dma_semaphore, #tpu.memory_space<semaphore_mem>>)
      %dma_wait3A = arith.constant 0 : i32
      %dma_wait3A_21 = arith.constant 0 : i32
      %dma_wait3A_22 = tpu.memref_slice %arg2[%dma_wait3A, %dma_wait3A_21] : memref<10240x128xf32, #tpu.memory_space<hbm>> -> memref<10240x128xf32, #tpu.memory_space<hbm>>
      tpu.wait_indirect_dma semaphore(%arg11 : memref<!tpu.dma_semaphore, #tpu.memory_space<semaphore_mem>>) src(%dma_wait3A_22 : memref<10240x128xf32, #tpu.memory_space<hbm>>) dst(%arg9 : memref<80x128xf32, #tpu.memory_space<vmem>>)
      "tpu.region"() ({
        %run_scoped3A = tpu.sem_alloc : memref<!tpu.dma_semaphore, #tpu.memory_space<semaphore_mem>>
        %dma_start3A_23 = arith.constant 0 : i32
        %dma_start3A_24 = arith.constant 0 : i32
        %dma_start3A_25 = tpu.memref_slice %arg10[%dma_start3A_23, %dma_start3A_24] : memref<10240x128xf32, #tpu.memory_space<vmem_shared>> -> memref<10240x128xf32, #tpu.memory_space<vmem_shared>>
        tpu.enqueue_indirect_dma source(%arg9 : memref<80x128xf32, #tpu.memory_space<vmem>>) target(%dma_start3A_25 : memref<10240x128xf32, #tpu.memory_space<vmem_shared>>) offsets(%arg8 : memref<80xi32, #tpu.memory_space<vmem>>) semaphore(%run_scoped3A : memref<!tpu.dma_semaphore, #tpu.memory_space<semaphore_mem>>) {add = true}
        %dma_wait3A_26 = arith.constant 0 : i32
        %dma_wait3A_27 = arith.constant 0 : i32
        %dma_wait3A_28 = tpu.memref_slice %arg10[%dma_wait3A_26, %dma_wait3A_27] : memref<10240x128xf32, #tpu.memory_space<vmem_shared>> -> memref<10240x128xf32, #tpu.memory_space<vmem_shared>>
        tpu.wait_indirect_dma semaphore(%run_scoped3A : memref<!tpu.dma_semaphore, #tpu.memory_space<semaphore_mem>>) src(%arg9 : memref<80x128xf32, #tpu.memory_space<vmem>>) dst(%dma_wait3A_28 : memref<10240x128xf32, #tpu.memory_space<vmem_shared>>)
        tpu.yield
      }) : () -> ()
    }
    %scan3A_7 = arith.constant 125 : i32
    %barrier3A_8 = arith.constant 0 : index
    tpu.barrier barrier_id(%barrier3A_8)
    %mul3A_9 = arith.constant 640 : i32
    %mul3A_10 = arith.muli %arg1, %mul3A_9 : i32
    %mul3A_11 = arith.constant 640 : i32
    %mul3A_12 = arith.muli %arg1, %mul3A_11 : i32
    "tpu.region"() ({
      %run_scoped3A = tpu.sem_alloc : memref<!tpu.dma_semaphore, #tpu.memory_space<semaphore_mem>>
      %dma_start3A = arith.constant 0 : i32
      %dma_start3A_13 = tpu.memref_slice %arg6[%arg0, %mul3A_12, %dma_start3A] : memref<2x10240x128xf32, #tpu.memory_space<hbm>> -> memref<1x640x128xf32, #tpu.memory_space<hbm>>
      %dma_start3A_14 = tpu.memref_squeeze %dma_start3A_13 : memref<1x640x128xf32, #tpu.memory_space<hbm>> -> memref<640x128xf32, #tpu.memory_space<hbm>>
      %dma_start3A_15 = arith.constant 0 : i32
      %dma_start3A_16 = tpu.memref_slice %arg10[%mul3A_10, %dma_start3A_15] : memref<10240x128xf32, #tpu.memory_space<vmem_shared>> -> memref<640x128xf32, #tpu.memory_space<vmem_shared>>
      tpu.enqueue_dma source(%dma_start3A_16 : memref<640x128xf32, #tpu.memory_space<vmem_shared>>) target(%dma_start3A_14 : memref<640x128xf32, #tpu.memory_space<hbm>>) target_semaphore(%run_scoped3A : memref<!tpu.dma_semaphore, #tpu.memory_space<semaphore_mem>>)
      %dma_wait3A = arith.constant 0 : i32
      %dma_wait3A_17 = tpu.memref_slice %arg6[%arg0, %mul3A_12, %dma_wait3A] : memref<2x10240x128xf32, #tpu.memory_space<hbm>> -> memref<1x640x128xf32, #tpu.memory_space<hbm>>
      %dma_wait3A_18 = tpu.memref_squeeze %dma_wait3A_17 : memref<1x640x128xf32, #tpu.memory_space<hbm>> -> memref<640x128xf32, #tpu.memory_space<hbm>>
      %dma_wait3A_19 = arith.constant 0 : i32
      %dma_wait3A_20 = tpu.memref_slice %arg10[%mul3A_10, %dma_wait3A_19] : memref<10240x128xf32, #tpu.memory_space<vmem_shared>> -> memref<640x128xf32, #tpu.memory_space<vmem_shared>>
      tpu.wait_dma2 semaphore(%run_scoped3A : memref<!tpu.dma_semaphore, #tpu.memory_space<semaphore_mem>>) src(%dma_wait3A_20 : memref<640x128xf32, #tpu.memory_space<vmem_shared>>) dst(%dma_wait3A_18 : memref<640x128xf32, #tpu.memory_space<hbm>>)
      tpu.yield
    }) : () -> ()
    return
  }
}

#map = affine_map<(d0, d1) -> (0, 0)>
#map1 = affine_map<(d0, d1) -> (0)>
#map2 = affine_map<(d0, d1) -> (0, 0, 0)>
module attributes {stable_mosaic.version = 14 : i64} {
  func.func @_agg_kernel(%arg0: i32, %arg1: i32, %arg2: memref<10240x128xf32, #tpu.memory_space<hbm>>, %arg3: memref<320000xi32, #tpu.memory_space<hbm>>, %arg4: memref<320000xi32, #tpu.memory_space<hbm>>, %arg5: memref<640x128xf32, #tpu.memory_space<hbm>>, %arg6: memref<2x10240x128xf32, #tpu.memory_space<hbm>>, %arg7: memref<80xi32, #tpu.memory_space<vmem>>, %arg8: memref<80xi32, #tpu.memory_space<vmem>>, %arg9: memref<80x128xf32, #tpu.memory_space<vmem>>, %arg10: memref<10240x128xf32, #tpu.memory_space<vmem_shared>>, %arg11: memref<!tpu.dma_semaphore, #tpu.memory_space<semaphore_mem>>) attributes {dimension_semantics = [#tpu.dimension_semantics<core_parallel>, #tpu.dimension_semantics<subcore_parallel>], iteration_bounds = array<i64: 2, 16>, scalar_prefetch = 0 : i64, scratch_operands = 5 : i64, tpu.core_type = #tpu.core_type<sc_vector_subcore>, window_params = [{transform_indices = #map}, {transform_indices = #map1}, {transform_indices = #map1}, {transform_indices = #map}, {transform_indices = #map2}]} {
    %mul3A = arith.constant 2 : i32
    %mul3A_0 = arith.muli %arg1, %mul3A : i32
    %add3A = arith.addi %mul3A_0, %arg0 : i32
    %mul3A_1 = arith.constant 640 : i32
    %mul3A_2 = arith.muli %arg1, %mul3A_1 : i32
    "tpu.region"() ({
      %run_scoped3A = tpu.sem_alloc : memref<!tpu.dma_semaphore, #tpu.memory_space<semaphore_mem>>
      %dma_start3A = arith.constant 0 : i32
      %dma_start3A_13 = tpu.memref_slice %arg10[%mul3A_2, %dma_start3A] : memref<10240x128xf32, #tpu.memory_space<vmem_shared>> -> memref<640x128xf32, #tpu.memory_space<vmem_shared>>
      tpu.enqueue_dma source(%arg5 : memref<640x128xf32, #tpu.memory_space<hbm>>) target(%dma_start3A_13 : memref<640x128xf32, #tpu.memory_space<vmem_shared>>) target_semaphore(%run_scoped3A : memref<!tpu.dma_semaphore, #tpu.memory_space<semaphore_mem>>)
      %dma_wait3A = arith.constant 0 : i32
      %dma_wait3A_14 = tpu.memref_slice %arg10[%mul3A_2, %dma_wait3A] : memref<10240x128xf32, #tpu.memory_space<vmem_shared>> -> memref<640x128xf32, #tpu.memory_space<vmem_shared>>
      tpu.wait_dma2 semaphore(%run_scoped3A : memref<!tpu.dma_semaphore, #tpu.memory_space<semaphore_mem>>) src(%arg5 : memref<640x128xf32, #tpu.memory_space<hbm>>) dst(%dma_wait3A_14 : memref<640x128xf32, #tpu.memory_space<vmem_shared>>)
      tpu.yield
    }) : () -> ()
    %barrier3A = arith.constant 0 : index
    tpu.barrier barrier_id(%barrier3A)
    %scan3A = arith.constant 0 : i32
    %scan3A_3 = arith.constant 0 : i32
    %scan3A_4 = arith.constant 125 : i32
    %scan3A_5 = arith.addi %scan3A_3, %scan3A_4 : i32
    %scan3A_6 = arith.constant 1 : i32
    scf.for %scan3A_13 = %scan3A_3 to %scan3A_5 step %scan3A_6  : i32 {
      %mul3A_14 = arith.constant 10000 : i32
      %mul3A_15 = arith.muli %add3A, %mul3A_14 : i32
      %mul3A_16 = arith.constant 80 : i32
      %mul3A_17 = arith.muli %scan3A_13, %mul3A_16 : i32
      %add3A_18 = arith.addi %mul3A_15, %mul3A_17 : i32
      "tpu.region"() ({
        %run_scoped3A = tpu.sem_alloc : memref<!tpu.dma_semaphore, #tpu.memory_space<semaphore_mem>>
        %dma_start3A_23 = tpu.memref_slice %arg3[%add3A_18] : memref<320000xi32, #tpu.memory_space<hbm>> -> memref<80xi32, #tpu.memory_space<hbm>>
        %dma_start3A_24 = tpu.memref_slice %arg3[%add3A_18] : memref<320000xi32, #tpu.memory_space<hbm>> -> memref<80xi32, #tpu.memory_space<hbm>>
        tpu.enqueue_dma source(%dma_start3A_24 : memref<80xi32, #tpu.memory_space<hbm>>) target(%arg7 : memref<80xi32, #tpu.memory_space<vmem>>) target_semaphore(%run_scoped3A : memref<!tpu.dma_semaphore, #tpu.memory_space<semaphore_mem>>)
        %dma_wait3A_25 = tpu.memref_slice %arg3[%add3A_18] : memref<320000xi32, #tpu.memory_space<hbm>> -> memref<80xi32, #tpu.memory_space<hbm>>
        %dma_wait3A_26 = tpu.memref_slice %arg3[%add3A_18] : memref<320000xi32, #tpu.memory_space<hbm>> -> memref<80xi32, #tpu.memory_space<hbm>>
        tpu.wait_dma2 semaphore(%run_scoped3A : memref<!tpu.dma_semaphore, #tpu.memory_space<semaphore_mem>>) src(%dma_wait3A_26 : memref<80xi32, #tpu.memory_space<hbm>>) dst(%arg7 : memref<80xi32, #tpu.memory_space<vmem>>)
        tpu.yield
      }) : () -> ()
      "tpu.region"() ({
        %run_scoped3A = tpu.sem_alloc : memref<!tpu.dma_semaphore, #tpu.memory_space<semaphore_mem>>
        %dma_start3A_23 = tpu.memref_slice %arg4[%add3A_18] : memref<320000xi32, #tpu.memory_space<hbm>> -> memref<80xi32, #tpu.memory_space<hbm>>
        %dma_start3A_24 = tpu.memref_slice %arg4[%add3A_18] : memref<320000xi32, #tpu.memory_space<hbm>> -> memref<80xi32, #tpu.memory_space<hbm>>
        tpu.enqueue_dma source(%dma_start3A_24 : memref<80xi32, #tpu.memory_space<hbm>>) target(%arg8 : memref<80xi32, #tpu.memory_space<vmem>>) target_semaphore(%run_scoped3A : memref<!tpu.dma_semaphore, #tpu.memory_space<semaphore_mem>>)
        %dma_wait3A_25 = tpu.memref_slice %arg4[%add3A_18] : memref<320000xi32, #tpu.memory_space<hbm>> -> memref<80xi32, #tpu.memory_space<hbm>>
        %dma_wait3A_26 = tpu.memref_slice %arg4[%add3A_18] : memref<320000xi32, #tpu.memory_space<hbm>> -> memref<80xi32, #tpu.memory_space<hbm>>
        tpu.wait_dma2 semaphore(%run_scoped3A : memref<!tpu.dma_semaphore, #tpu.memory_space<semaphore_mem>>) src(%dma_wait3A_26 : memref<80xi32, #tpu.memory_space<hbm>>) dst(%arg8 : memref<80xi32, #tpu.memory_space<vmem>>)
        tpu.yield
      }) : () -> ()
      %dma_start3A = arith.constant 0 : i32
      %dma_start3A_19 = arith.constant 0 : i32
      %dma_start3A_20 = tpu.memref_slice %arg2[%dma_start3A, %dma_start3A_19] : memref<10240x128xf32, #tpu.memory_space<hbm>> -> memref<10240x128xf32, #tpu.memory_space<hbm>>
      tpu.enqueue_indirect_dma source(%dma_start3A_20 : memref<10240x128xf32, #tpu.memory_space<hbm>>) target(%arg9 : memref<80x128xf32, #tpu.memory_space<vmem>>) offsets(%arg7 : memref<80xi32, #tpu.memory_space<vmem>>) semaphore(%arg11 : memref<!tpu.dma_semaphore, #tpu.memory_space<semaphore_mem>>)
      %dma_wait3A = arith.constant 0 : i32
      %dma_wait3A_21 = arith.constant 0 : i32
      %dma_wait3A_22 = tpu.memref_slice %arg2[%dma_wait3A, %dma_wait3A_21] : memref<10240x128xf32, #tpu.memory_space<hbm>> -> memref<10240x128xf32, #tpu.memory_space<hbm>>
      tpu.wait_indirect_dma semaphore(%arg11 : memref<!tpu.dma_semaphore, #tpu.memory_space<semaphore_mem>>) src(%dma_wait3A_22 : memref<10240x128xf32, #tpu.memory_space<hbm>>) dst(%arg9 : memref<80x128xf32, #tpu.memory_space<vmem>>)
      "tpu.region"() ({
        %run_scoped3A = tpu.sem_alloc : memref<!tpu.dma_semaphore, #tpu.memory_space<semaphore_mem>>
        %dma_start3A_23 = arith.constant 0 : i32
        %dma_start3A_24 = arith.constant 0 : i32
        %dma_start3A_25 = tpu.memref_slice %arg10[%dma_start3A_23, %dma_start3A_24] : memref<10240x128xf32, #tpu.memory_space<vmem_shared>> -> memref<10240x128xf32, #tpu.memory_space<vmem_shared>>
        tpu.enqueue_indirect_dma source(%arg9 : memref<80x128xf32, #tpu.memory_space<vmem>>) target(%dma_start3A_25 : memref<10240x128xf32, #tpu.memory_space<vmem_shared>>) offsets(%arg8 : memref<80xi32, #tpu.memory_space<vmem>>) semaphore(%run_scoped3A : memref<!tpu.dma_semaphore, #tpu.memory_space<semaphore_mem>>) {add = true}
        %dma_wait3A_26 = arith.constant 0 : i32
        %dma_wait3A_27 = arith.constant 0 : i32
        %dma_wait3A_28 = tpu.memref_slice %arg10[%dma_wait3A_26, %dma_wait3A_27] : memref<10240x128xf32, #tpu.memory_space<vmem_shared>> -> memref<10240x128xf32, #tpu.memory_space<vmem_shared>>
        tpu.wait_indirect_dma semaphore(%run_scoped3A : memref<!tpu.dma_semaphore, #tpu.memory_space<semaphore_mem>>) src(%arg9 : memref<80x128xf32, #tpu.memory_space<vmem>>) dst(%dma_wait3A_28 : memref<10240x128xf32, #tpu.memory_space<vmem_shared>>)
        tpu.yield
      }) : () -> ()
    }
    %scan3A_7 = arith.constant 125 : i32
    %barrier3A_8 = arith.constant 0 : index
    tpu.barrier barrier_id(%barrier3A_8)
    %mul3A_9 = arith.constant 640 : i32
    %mul3A_10 = arith.muli %arg1, %mul3A_9 : i32
    %mul3A_11 = arith.constant 640 : i32
    %mul3A_12 = arith.muli %arg1, %mul3A_11 : i32
    "tpu.region"() ({
      %run_scoped3A = tpu.sem_alloc : memref<!tpu.dma_semaphore, #tpu.memory_space<semaphore_mem>>
      %dma_start3A = arith.constant 0 : i32
      %dma_start3A_13 = tpu.memref_slice %arg6[%arg0, %mul3A_12, %dma_start3A] : memref<2x10240x128xf32, #tpu.memory_space<hbm>> -> memref<1x640x128xf32, #tpu.memory_space<hbm>>
      %dma_start3A_14 = tpu.memref_squeeze %dma_start3A_13 : memref<1x640x128xf32, #tpu.memory_space<hbm>> -> memref<640x128xf32, #tpu.memory_space<hbm>>
      %dma_start3A_15 = arith.constant 0 : i32
      %dma_start3A_16 = tpu.memref_slice %arg10[%mul3A_10, %dma_start3A_15] : memref<10240x128xf32, #tpu.memory_space<vmem_shared>> -> memref<640x128xf32, #tpu.memory_space<vmem_shared>>
      tpu.enqueue_dma source(%dma_start3A_16 : memref<640x128xf32, #tpu.memory_space<vmem_shared>>) target(%dma_start3A_14 : memref<640x128xf32, #tpu.memory_space<hbm>>) target_semaphore(%run_scoped3A : memref<!tpu.dma_semaphore, #tpu.memory_space<semaphore_mem>>)
      %dma_wait3A = arith.constant 0 : i32
      %dma_wait3A_17 = tpu.memref_slice %arg6[%arg0, %mul3A_12, %dma_wait3A] : memref<2x10240x128xf32, #tpu.memory_space<hbm>> -> memref<1x640x128xf32, #tpu.memory_space<hbm>>
      %dma_wait3A_18 = tpu.memref_squeeze %dma_wait3A_17 : memref<1x640x128xf32, #tpu.memory_space<hbm>> -> memref<640x128xf32, #tpu.memory_space<hbm>>
      %dma_wait3A_19 = arith.constant 0 : i32
      %dma_wait3A_20 = tpu.memref_slice %arg10[%mul3A_10, %dma_wait3A_19] : memref<10240x128xf32, #tpu.memory_space<vmem_shared>> -> memref<640x128xf32, #tpu.memory_space<vmem_shared>>
      tpu.wait_dma2 semaphore(%run_scoped3A : memref<!tpu.dma_semaphore, #tpu.memory_space<semaphore_mem>>) src(%dma_wait3A_20 : memref<640x128xf32, #tpu.memory_space<vmem_shared>>) dst(%dma_wait3A_18 : memref<640x128xf32, #tpu.memory_space<hbm>>)
      tpu.yield
    }) : () -> ()
    return
  }
}

module attributes {stable_mosaic.version = 14 : i64} {
  func.func @_tc1_body(%arg0: i32, %arg1: memref<2x1024x16xf32, #tpu.memory_space<vmem>>, %arg2: memref<1024x128xf32, #tpu.memory_space<vmem>>, %arg3: memref<128x128xf32, #tpu.memory_space<vmem>>, %arg4: memref<1024x128xf32, #tpu.memory_space<vmem>>) attributes {dimension_semantics = [#tpu.dimension_semantics<arbitrary>], iteration_bounds = array<i64: 10>, scalar_prefetch = 0 : i64, scratch_operands = 0 : i64, tpu.core_type = #tpu.core_type<tc>, window_params = [{transform_indices = @transform_0, window_bounds = array<i64: 2, 1024, 16>}, {transform_indices = @transform_1, window_bounds = array<i64: 1024, 128>}, {pipeline_mode = #tpu.pipeline_mode<synchronous>, transform_indices = @transform_2, window_bounds = array<i64: 128, 128>}, {transform_indices = @transform_3, window_bounds = array<i64: 1024, 128>}]} {
    %get3A = arith.constant 0 : index
    %get3A_0 = arith.constant 0 : index
    %get3A_1 = arith.constant 0 : index
    %get3A_2 = vector.load %arg1[%get3A, %get3A_0, %get3A_1] : memref<2x1024x16xf32, #tpu.memory_space<vmem>>, vector<1x1024x1xf32>
    %get3A_3 = vector.shape_cast %get3A_2 : vector<1x1024x1xf32> to vector<1024x1xf32>
    %add3A = arith.constant 1.000000e+00 : f32
    %add3A_4 = vector.broadcast %add3A : f32 to vector<1024x1xf32>
    %add3A_5 = arith.addf %add3A_4, %get3A_3 : vector<1024x1xf32>
    %get3A_6 = arith.constant 1 : index
    %get3A_7 = arith.constant 0 : index
    %get3A_8 = arith.constant 0 : index
    %get3A_9 = vector.load %arg1[%get3A_6, %get3A_7, %get3A_8] : memref<2x1024x16xf32, #tpu.memory_space<vmem>>, vector<1x1024x1xf32>
    %get3A_10 = vector.shape_cast %get3A_9 : vector<1x1024x1xf32> to vector<1024x1xf32>
    %add3A_11 = arith.addf %add3A_5, %get3A_10 : vector<1024x1xf32>
    %rsqrt3A = math.rsqrt %add3A_11 : vector<1024x1xf32>
    %get3A_12 = arith.constant 0 : index
    %get3A_13 = arith.constant 0 : index
    %get3A_14 = vector.load %arg2[%get3A_12, %get3A_13] : memref<1024x128xf32, #tpu.memory_space<vmem>>, vector<1024x128xf32>
    %get3A_15 = arith.constant 0 : index
    %get3A_16 = arith.constant 0 : index
    %get3A_17 = vector.load %arg3[%get3A_15, %get3A_16] : memref<128x128xf32, #tpu.memory_space<vmem>>, vector<128x128xf32>
    %dot_general3A = arith.constant dense<0.000000e+00> : vector<1024x128xf32>
    %dot_general3A_18 = tpu.matmul %get3A_14, %get3A_17, %dot_general3A {dimension_numbers = #tpu.dot_dimension_numbers<[1], [0], [0], [1], [0, 0, 1, 1], [], []>, transpose_lhs_hint = false} : vector<1024x128xf32>, vector<128x128xf32>, vector<1024x128xf32> -> vector<1024x128xf32>
    %mul3A = vector.broadcast %rsqrt3A : vector<1024x1xf32> to vector<1024x128xf32>
    %mul3A_19 = arith.mulf %mul3A, %dot_general3A_18 : vector<1024x128xf32>
    %swap3A = arith.constant 0 : index
    %swap3A_20 = arith.constant 0 : index
    %swap3A_21 = vector.load %arg4[%swap3A, %swap3A_20] : memref<1024x128xf32, #tpu.memory_space<vmem>>, vector<1024x128xf32>
    tpu.vector_store %arg4[%swap3A, %swap3A_20], %mul3A_19 {strides = array<i32>} : memref<1024x128xf32, #tpu.memory_space<vmem>>, vector<1024x128xf32>,
    return
  }
  func.func @transform_0(%arg0: i32) -> (i32, i32, i32) {
    %c0_i32 = arith.constant 0 : i32
    %c0_i32_0 = arith.constant 0 : i32
    %c0_i32_1 = arith.constant 0 : i32
    return %c0_i32, %arg0, %c0_i32_0 : i32, i32, i32
  }
  func.func @transform_1(%arg0: i32) -> (i32, i32) {
    %c0_i32 = arith.constant 0 : i32
    %c0_i32_0 = arith.constant 0 : i32
    return %arg0, %c0_i32 : i32, i32
  }
  func.func @transform_2(%arg0: i32) -> (i32, i32) {
    %c0_i32 = arith.constant 0 : i32
    %c0_i32_0 = arith.constant 0 : i32
    %c0_i32_1 = arith.constant 0 : i32
    return %c0_i32, %c0_i32_0 : i32, i32
  }
  func.func @transform_3(%arg0: i32) -> (i32, i32) {
    %c0_i32 = arith.constant 0 : i32
    %c0_i32_0 = arith.constant 0 : i32
    return %arg0, %c0_i32 : i32, i32
  }
}

module attributes {stable_mosaic.version = 14 : i64} {
  func.func @_tc2_body(%arg0: i32, %arg1: memref<2x1024x16xf32, #tpu.memory_space<vmem>>, %arg2: memref<2x1024x128xf32, #tpu.memory_space<vmem>>, %arg3: memref<1024x128xf32, #tpu.memory_space<vmem>>, %arg4: memref<1x128xf32, #tpu.memory_space<vmem>>, %arg5: memref<128x128xf32, #tpu.memory_space<vmem>>, %arg6: memref<1024x128xf32, #tpu.memory_space<vmem>>) attributes {dimension_semantics = [#tpu.dimension_semantics<arbitrary>], iteration_bounds = array<i64: 10>, scalar_prefetch = 0 : i64, scratch_operands = 0 : i64, tpu.core_type = #tpu.core_type<tc>, window_params = [{transform_indices = @transform_0, window_bounds = array<i64: 2, 1024, 16>}, {transform_indices = @transform_1, window_bounds = array<i64: 2, 1024, 128>}, {transform_indices = @transform_2, window_bounds = array<i64: 1024, 128>}, {pipeline_mode = #tpu.pipeline_mode<synchronous>, transform_indices = @transform_3, window_bounds = array<i64: 1, 128>}, {pipeline_mode = #tpu.pipeline_mode<synchronous>, transform_indices = @transform_4, window_bounds = array<i64: 128, 128>}, {transform_indices = @transform_5, window_bounds = array<i64: 1024, 128>}]} {
    %get3A = arith.constant 0 : index
    %get3A_0 = arith.constant 0 : index
    %get3A_1 = arith.constant 0 : index
    %get3A_2 = vector.load %arg1[%get3A, %get3A_0, %get3A_1] : memref<2x1024x16xf32, #tpu.memory_space<vmem>>, vector<1x1024x1xf32>
    %get3A_3 = vector.shape_cast %get3A_2 : vector<1x1024x1xf32> to vector<1024x1xf32>
    %add3A = arith.constant 1.000000e+00 : f32
    %add3A_4 = vector.broadcast %add3A : f32 to vector<1024x1xf32>
    %add3A_5 = arith.addf %add3A_4, %get3A_3 : vector<1024x1xf32>
    %get3A_6 = arith.constant 1 : index
    %get3A_7 = arith.constant 0 : index
    %get3A_8 = arith.constant 0 : index
    %get3A_9 = vector.load %arg1[%get3A_6, %get3A_7, %get3A_8] : memref<2x1024x16xf32, #tpu.memory_space<vmem>>, vector<1x1024x1xf32>
    %get3A_10 = vector.shape_cast %get3A_9 : vector<1x1024x1xf32> to vector<1024x1xf32>
    %add3A_11 = arith.addf %add3A_5, %get3A_10 : vector<1024x1xf32>
    %rsqrt3A = math.rsqrt %add3A_11 : vector<1024x1xf32>
    %get3A_12 = arith.constant 0 : index
    %get3A_13 = arith.constant 0 : index
    %get3A_14 = arith.constant 0 : index
    %get3A_15 = vector.load %arg2[%get3A_12, %get3A_13, %get3A_14] : memref<2x1024x128xf32, #tpu.memory_space<vmem>>, vector<1x1024x128xf32>
    %get3A_16 = vector.shape_cast %get3A_15 : vector<1x1024x128xf32> to vector<1024x128xf32>
    %get3A_17 = arith.constant 1 : index
    %get3A_18 = arith.constant 0 : index
    %get3A_19 = arith.constant 0 : index
    %get3A_20 = vector.load %arg2[%get3A_17, %get3A_18, %get3A_19] : memref<2x1024x128xf32, #tpu.memory_space<vmem>>, vector<1x1024x128xf32>
    %get3A_21 = vector.shape_cast %get3A_20 : vector<1x1024x128xf32> to vector<1024x128xf32>
    %add3A_22 = arith.addf %get3A_16, %get3A_21 : vector<1024x128xf32>
    %get3A_23 = arith.constant 0 : index
    %get3A_24 = arith.constant 0 : index
    %get3A_25 = vector.load %arg3[%get3A_23, %get3A_24] : memref<1024x128xf32, #tpu.memory_space<vmem>>, vector<1024x128xf32>
    %add3A_26 = arith.addf %add3A_22, %get3A_25 : vector<1024x128xf32>
    %mul3A = vector.broadcast %rsqrt3A : vector<1024x1xf32> to vector<1024x128xf32>
    %mul3A_27 = arith.mulf %mul3A, %add3A_26 : vector<1024x128xf32>
    %get3A_28 = arith.constant 0 : index
    %get3A_29 = arith.constant 0 : index
    %get3A_30 = vector.load %arg4[%get3A_28, %get3A_29] : memref<1x128xf32, #tpu.memory_space<vmem>>, vector<1x128xf32>
    %add3A_31 = vector.broadcast %get3A_30 : vector<1x128xf32> to vector<1024x128xf32>
    %add3A_32 = arith.addf %mul3A_27, %add3A_31 : vector<1024x128xf32>
    %max3A = arith.constant 0.000000e+00 : f32
    %max3A_33 = vector.broadcast %max3A : f32 to vector<1024x128xf32>
    %max3A_34 = arith.maximumf %add3A_32, %max3A_33 : vector<1024x128xf32>
    %get3A_35 = arith.constant 0 : index
    %get3A_36 = arith.constant 0 : index
    %get3A_37 = vector.load %arg5[%get3A_35, %get3A_36] : memref<128x128xf32, #tpu.memory_space<vmem>>, vector<128x128xf32>
    %dot_general3A = arith.constant dense<0.000000e+00> : vector<1024x128xf32>
    %dot_general3A_38 = tpu.matmul %max3A_34, %get3A_37, %dot_general3A {dimension_numbers = #tpu.dot_dimension_numbers<[1], [0], [0], [1], [0, 0, 1, 1], [], []>, transpose_lhs_hint = false} : vector<1024x128xf32>, vector<128x128xf32>, vector<1024x128xf32> -> vector<1024x128xf32>
    %mul3A_39 = vector.broadcast %rsqrt3A : vector<1024x1xf32> to vector<1024x128xf32>
    %mul3A_40 = arith.mulf %mul3A_39, %dot_general3A_38 : vector<1024x128xf32>
    %swap3A = arith.constant 0 : index
    %swap3A_41 = arith.constant 0 : index
    %swap3A_42 = vector.load %arg6[%swap3A, %swap3A_41] : memref<1024x128xf32, #tpu.memory_space<vmem>>, vector<1024x128xf32>
    tpu.vector_store %arg6[%swap3A, %swap3A_41], %mul3A_40 {strides = array<i32>} : memref<1024x128xf32, #tpu.memory_space<vmem>>, vector<1024x128xf32>,
    return
  }
  func.func @transform_0(%arg0: i32) -> (i32, i32, i32) {
    %c0_i32 = arith.constant 0 : i32
    %c0_i32_0 = arith.constant 0 : i32
    %c0_i32_1 = arith.constant 0 : i32
    return %c0_i32, %arg0, %c0_i32_0 : i32, i32, i32
  }
  func.func @transform_1(%arg0: i32) -> (i32, i32, i32) {
    %c0_i32 = arith.constant 0 : i32
    %c0_i32_0 = arith.constant 0 : i32
    %c0_i32_1 = arith.constant 0 : i32
    return %c0_i32, %arg0, %c0_i32_0 : i32, i32, i32
  }
  func.func @transform_2(%arg0: i32) -> (i32, i32) {
    %c0_i32 = arith.constant 0 : i32
    %c0_i32_0 = arith.constant 0 : i32
    return %arg0, %c0_i32 : i32, i32
  }
  func.func @transform_3(%arg0: i32) -> (i32, i32) {
    %c0_i32 = arith.constant 0 : i32
    %c0_i32_0 = arith.constant 0 : i32
    %c0_i32_1 = arith.constant 0 : i32
    return %c0_i32, %c0_i32_0 : i32, i32
  }
  func.func @transform_4(%arg0: i32) -> (i32, i32) {
    %c0_i32 = arith.constant 0 : i32
    %c0_i32_0 = arith.constant 0 : i32
    %c0_i32_1 = arith.constant 0 : i32
    return %c0_i32, %c0_i32_0 : i32, i32
  }
  func.func @transform_5(%arg0: i32) -> (i32, i32) {
    %c0_i32 = arith.constant 0 : i32
    %c0_i32_0 = arith.constant 0 : i32
    return %arg0, %c0_i32 : i32, i32
  }
}

module attributes {stable_mosaic.version = 14 : i64} {
  func.func @_tc3_body(%arg0: i32, %arg1: memref<2x1024x16xf32, #tpu.memory_space<vmem>>, %arg2: memref<2x1024x128xf32, #tpu.memory_space<vmem>>, %arg3: memref<1024x128xf32, #tpu.memory_space<vmem>>, %arg4: memref<1x128xf32, #tpu.memory_space<vmem>>, %arg5: memref<1024x128xf32, #tpu.memory_space<vmem>>) attributes {dimension_semantics = [#tpu.dimension_semantics<arbitrary>], iteration_bounds = array<i64: 10>, scalar_prefetch = 0 : i64, scratch_operands = 0 : i64, tpu.core_type = #tpu.core_type<tc>, window_params = [{transform_indices = @transform_0, window_bounds = array<i64: 2, 1024, 16>}, {transform_indices = @transform_1, window_bounds = array<i64: 2, 1024, 128>}, {transform_indices = @transform_2, window_bounds = array<i64: 1024, 128>}, {pipeline_mode = #tpu.pipeline_mode<synchronous>, transform_indices = @transform_3, window_bounds = array<i64: 1, 128>}, {transform_indices = @transform_4, window_bounds = array<i64: 1024, 128>}]} {
    %get3A = arith.constant 0 : index
    %get3A_0 = arith.constant 0 : index
    %get3A_1 = arith.constant 0 : index
    %get3A_2 = vector.load %arg1[%get3A, %get3A_0, %get3A_1] : memref<2x1024x16xf32, #tpu.memory_space<vmem>>, vector<1x1024x1xf32>
    %get3A_3 = vector.shape_cast %get3A_2 : vector<1x1024x1xf32> to vector<1024x1xf32>
    %add3A = arith.constant 1.000000e+00 : f32
    %add3A_4 = vector.broadcast %add3A : f32 to vector<1024x1xf32>
    %add3A_5 = arith.addf %add3A_4, %get3A_3 : vector<1024x1xf32>
    %get3A_6 = arith.constant 1 : index
    %get3A_7 = arith.constant 0 : index
    %get3A_8 = arith.constant 0 : index
    %get3A_9 = vector.load %arg1[%get3A_6, %get3A_7, %get3A_8] : memref<2x1024x16xf32, #tpu.memory_space<vmem>>, vector<1x1024x1xf32>
    %get3A_10 = vector.shape_cast %get3A_9 : vector<1x1024x1xf32> to vector<1024x1xf32>
    %add3A_11 = arith.addf %add3A_5, %get3A_10 : vector<1024x1xf32>
    %rsqrt3A = math.rsqrt %add3A_11 : vector<1024x1xf32>
    %get3A_12 = arith.constant 0 : index
    %get3A_13 = arith.constant 0 : index
    %get3A_14 = arith.constant 0 : index
    %get3A_15 = vector.load %arg2[%get3A_12, %get3A_13, %get3A_14] : memref<2x1024x128xf32, #tpu.memory_space<vmem>>, vector<1x1024x128xf32>
    %get3A_16 = vector.shape_cast %get3A_15 : vector<1x1024x128xf32> to vector<1024x128xf32>
    %get3A_17 = arith.constant 1 : index
    %get3A_18 = arith.constant 0 : index
    %get3A_19 = arith.constant 0 : index
    %get3A_20 = vector.load %arg2[%get3A_17, %get3A_18, %get3A_19] : memref<2x1024x128xf32, #tpu.memory_space<vmem>>, vector<1x1024x128xf32>
    %get3A_21 = vector.shape_cast %get3A_20 : vector<1x1024x128xf32> to vector<1024x128xf32>
    %add3A_22 = arith.addf %get3A_16, %get3A_21 : vector<1024x128xf32>
    %get3A_23 = arith.constant 0 : index
    %get3A_24 = arith.constant 0 : index
    %get3A_25 = vector.load %arg3[%get3A_23, %get3A_24] : memref<1024x128xf32, #tpu.memory_space<vmem>>, vector<1024x128xf32>
    %add3A_26 = arith.addf %add3A_22, %get3A_25 : vector<1024x128xf32>
    %mul3A = vector.broadcast %rsqrt3A : vector<1024x1xf32> to vector<1024x128xf32>
    %mul3A_27 = arith.mulf %mul3A, %add3A_26 : vector<1024x128xf32>
    %get3A_28 = arith.constant 0 : index
    %get3A_29 = arith.constant 0 : index
    %get3A_30 = vector.load %arg4[%get3A_28, %get3A_29] : memref<1x128xf32, #tpu.memory_space<vmem>>, vector<1x128xf32>
    %add3A_31 = vector.broadcast %get3A_30 : vector<1x128xf32> to vector<1024x128xf32>
    %add3A_32 = arith.addf %mul3A_27, %add3A_31 : vector<1024x128xf32>
    %reduce_max3A = arith.constant dense<0xFF800000> : vector<1024xf32>
    %reduce_max3A_33 = vector.multi_reduction <maximumf>, %add3A_32, %reduce_max3A [1] : vector<1024x128xf32> to vector<1024xf32>
    %broadcast_in_dim3A = vector.shape_cast %reduce_max3A_33 : vector<1024xf32> to vector<1024x1xf32>
    %sub3A = vector.broadcast %broadcast_in_dim3A : vector<1024x1xf32> to vector<1024x128xf32>
    %sub3A_34 = arith.subf %add3A_32, %sub3A : vector<1024x128xf32>
    %exp3A = math.exp %sub3A_34 : vector<1024x128xf32>
    %reduce_sum3A = arith.constant dense<0.000000e+00> : vector<1024xf32>
    %reduce_sum3A_35 = vector.multi_reduction <add>, %exp3A, %reduce_sum3A [1] : vector<1024x128xf32> to vector<1024xf32>
    %broadcast_in_dim3A_36 = vector.shape_cast %reduce_sum3A_35 : vector<1024xf32> to vector<1024x1xf32>
    %log3A = math.log %broadcast_in_dim3A_36 : vector<1024x1xf32>
    %add3A_37 = arith.addf %log3A, %broadcast_in_dim3A : vector<1024x1xf32>
    %sub3A_38 = vector.broadcast %add3A_37 : vector<1024x1xf32> to vector<1024x128xf32>
    %sub3A_39 = arith.subf %add3A_32, %sub3A_38 : vector<1024x128xf32>
    %swap3A = arith.constant 0 : index
    %swap3A_40 = arith.constant 0 : index
    %swap3A_41 = vector.load %arg5[%swap3A, %swap3A_40] : memref<1024x128xf32, #tpu.memory_space<vmem>>, vector<1024x128xf32>
    tpu.vector_store %arg5[%swap3A, %swap3A_40], %sub3A_39 {strides = array<i32>} : memref<1024x128xf32, #tpu.memory_space<vmem>>, vector<1024x128xf32>,
    return
  }
  func.func @transform_0(%arg0: i32) -> (i32, i32, i32) {
    %c0_i32 = arith.constant 0 : i32
    %c0_i32_0 = arith.constant 0 : i32
    %c0_i32_1 = arith.constant 0 : i32
    return %c0_i32, %arg0, %c0_i32_0 : i32, i32, i32
  }
  func.func @transform_1(%arg0: i32) -> (i32, i32, i32) {
    %c0_i32 = arith.constant 0 : i32
    %c0_i32_0 = arith.constant 0 : i32
    %c0_i32_1 = arith.constant 0 : i32
    return %c0_i32, %arg0, %c0_i32_0 : i32, i32, i32
  }
  func.func @transform_2(%arg0: i32) -> (i32, i32) {
    %c0_i32 = arith.constant 0 : i32
    %c0_i32_0 = arith.constant 0 : i32
    return %arg0, %c0_i32 : i32, i32
  }
  func.func @transform_3(%arg0: i32) -> (i32, i32) {
    %c0_i32 = arith.constant 0 : i32
    %c0_i32_0 = arith.constant 0 : i32
    %c0_i32_1 = arith.constant 0 : i32
    return %c0_i32, %c0_i32_0 : i32, i32
  }
  func.func @transform_4(%arg0: i32) -> (i32, i32) {
    %c0_i32 = arith.constant 0 : i32
    %c0_i32_0 = arith.constant 0 : i32
    return %arg0, %c0_i32 : i32, i32
  }
}

</mosaic_0001>

<sc_bundles>
// kernel: kernel.11.cloned.1.call-start
scs
__scs_entry_jumppad:
0x0: {  	(pc) =	sbr.rel $0x88, $3  }
0x1: {  	(tag) =	ssettag $0x0;
	lr =	simm.s32 $0x1  }
0x2: {  	[smem:$0x3F9B] =	sst lr;
	_ =	strace $0xD0000000  }
0x3: {  	_ = 	snop  }
0x4: {  	_ = 	snop  }
0x5: {  	_ = 	snop  }
0x6: {  	_ = 	snop  }
0x7: {  	_ = 	snop  }
__scs_overlays_trampoline_lowered:
0x8: {  	[smem:$0x3FAA] =	sst s0  }
0x9: {  	[smem:$0x3FAB] =	sst s1  }
0xa: {  	[smem:$0x3FAC] =	sst s2  }
0xb: {  	[smem:$0x3FAD] =	sst s3  }
0xc: {  	[smem:$0x3FAE] =	sst s4  }
0xd: {  	[smem:$0x3FAF] =	sst s5  }
0xe: {  	[smem:$0x3FB0] =	sst s6  }
0xf: {  	[smem:$0x3FB1] =	sst s7  }
0x10: {  	[smem:$0x3FB2] =	sst s8  }
0x11: {  	[smem:$0x3FB3] =	sst s9;
	s0 =	simm.s32 @!p0 $0x0  }
0x12: {  	s1 =	sld [smem:$0x3F99];
	s0 =	simm.s32 @p0 $0x1  }
0x13: {  	[smem:$0x3FB4] =	sst s0;
	s0 =	simm.s32 @!p1 $0x0  }
0x14: {  	s2 =	sld [smem:$0x3F98];
	s0 =	simm.s32 @p1 $0x1  }
0x15: {  	[smem:$0x3FB5] =	sst s0;
	s0 =	simm.s32 @!p2 $0x0  }
0x16: {  	s3 =	sld [smem:$0x3FDB];
	s0 =	simm.s32 @p2 $0x1  }
0x17: {  	s4 =	simm.s32 $0x1BF5;
	[smem:$0x3FB7] =	sst s0  }
0x18: {  	s0 =	sld [smem:$0x3F9A];
	_ =	swait.ge [sflag:s4], $0x0  }
0x19: {  	s7 =	sld [smem:$0x3F9B]  }
0x1a: {  	s8 =	sadd.s32 $0xFFFFE003, lr  }
0x1b: {  	s9 =	sadd.s32 $0xFFFFFEF7, lr;
	s5 =	simm.s32 $0xFFFFFFFF;
	p2 =	slt.u32 s8, $0xFFFFF086  }
0x1c: {  	p1 =	slt.u32 s9, $0xF7A;
	s5 =	simm.s32 @!p2 $0x0  }
0x1d: {  	s5 =	simm.s32 @p1 $0x1;
	p0 =	seq.s32 s7, s2  }
0x1e: {  	s7 =	smul.u32 @!p0 $0xF7A, s2;
	p2 =	seq.s32 @!p0 s5, $0x0  }
0x1f: {  	s9 =	smul.u32 $0xF7A, s1;
	s8 =	simm.s32 @!p0 $0x1BF5;
	p2 =	por !p2, p0  }
0x20: {  	[sflag:s8] =	ssyncset.s32 @!p0 $0xFFFFF086;
	s6 =	sadd.s32 @!p0 s3, s7;
	s7 =	simm.s32 @!p0 $0x108  }
0x21: {  	s3 =	sadd.s32 s3, s9;
	s6 =	sadd.s32 @!p0 $0x88, s6;
	s7 =	simm.s32 @p2 $0x1082  }
0x22: {  	[simem:s7], [sflag:s8] =	dma.local @!p0 [hbm:s6], $0xF7A  }
0x23: {  	s9 =	sor.u32 $0xD0000000, s2;
	s6 =	simm.s32 $0x108;
	_ =	swait.ge @!p0 [sflag:s8], $0x0  }
0x24: {  	s3 =	sadd.s32 $0x88, s3;
	s6 =	simm.s32 @!p1 $0x1082;
	[sflag:s4] =	ssyncset.s32 $0xFFFFF086  }
0x25: {  	[simem:s6], [sflag:s4] =	dma.local [hbm:s3], $0xF7A  }
0x26: {  	[smem:$0x3F9B] =	sst s1;
	(tag) =	ssettag s2;
	_ =	strace s9  }
0x27: {  	s1 =	sld [smem:$0x3FAB]  }
0x28: {  	s2 =	sld [smem:$0x3FAC]  }
0x29: {  	s4 =	sld [smem:$0x3FAE]  }
0x2a: {  	p0 =	seq.s32 s5, $0x0;
	s5 =	sld [smem:$0x3FAF]  }
0x2b: {  	s6 =	sld [smem:$0x3FB0]  }
0x2c: {  	s7 =	sld [smem:$0x3FB1]  }
0x2d: {  	s3 =	simm.s32 $0x108;
	s8 =	sld [smem:$0x3FB2]  }
0x2e: {  	s3 =	simm.s32 @!p0 $0x1082;
	s9 =	sld [smem:$0x3FB3]  }
0x2f: {  	lr =	sadd.s32 s0, s3;
	s0 =	sld [smem:$0x3FAA]  }
0x30: {  	s3 =	sld [smem:$0x3FAD]  }
0x31: {  	[smem:$0x3FB6] =	sst s10  }
0x32: {  	s10 =	sld [smem:$0x3FB4];
	_ =	sdelay $0x3  }
0x33: {  	p0 =	seq.s32 s10, $0x1;
	s10 =	sld [smem:$0x3FB6];
	_ =	sdelay $0x3  }
0x34: {  	[smem:$0x3FB6] =	sst s10  }
0x35: {  	s10 =	sld [smem:$0x3FB5];
	_ =	sdelay $0x3  }
0x36: {  	p1 =	seq.s32 s10, $0x1;
	s10 =	sld [smem:$0x3FB6];
	_ =	sdelay $0x3  }
0x37: {  	[smem:$0x3FB6] =	sst s10  }
0x38: {  	s10 =	sld [smem:$0x3FB7]  }
0x39: {  	_ = 	snop;
	(pc) =	sbr.ind lr, $3  }
0x3a: {  	_ = 	snop  }
0x3b: {  	_ = 	snop  }
0x3c: {  	p2 =	seq.s32 s10, $0x1;
	s10 =	sld [smem:$0x3FB6]  }
0x3d: {  	_ =	shalt  }
0x3e: {  	_ =	shalt  }
0x3f: {  	_ =	shalt  }
0x40: {  	_ =	shalt  }
0x41: {  	_ =	shalt  }
0x42: {  	_ =	shalt  }
0x43: {  	_ =	shalt  }
0x44: {  	_ =	shalt  }
0x45: {  	_ =	shalt  }
0x46: {  	_ =	shalt  }
0x47: {  	_ =	shalt  }
0x48: {  	_ =	shalt  }
0x49: {  	_ =	shalt  }
0x4a: {  	_ =	shalt  }
0x4b: {  	_ =	shalt  }
0x4c: {  	_ =	shalt  }
0x4d: {  	_ =	shalt  }
0x4e: {  	_ =	shalt  }
0x4f: {  	_ =	shalt  }
0x50: {  	_ =	shalt  }
0x51: {  	_ =	shalt  }
0x52: {  	_ =	shalt  }
0x53: {  	_ =	shalt  }
0x54: {  	_ =	shalt  }
0x55: {  	_ =	shalt  }
0x56: {  	_ =	shalt  }
0x57: {  	_ =	shalt  }
0x58: {  	_ =	shalt  }
0x59: {  	_ =	shalt  }
0x5a: {  	_ =	shalt  }
0x5b: {  	_ =	shalt  }
0x5c: {  	_ =	shalt  }
0x5d: {  	_ =	shalt  }
0x5e: {  	_ =	shalt  }
0x5f: {  	_ =	shalt  }
0x60: {  	_ =	shalt  }
0x61: {  	_ =	shalt  }
0x62: {  	_ =	shalt  }
0x63: {  	_ =	shalt  }
0x64: {  	_ =	shalt  }
0x65: {  	_ =	shalt  }
0x66: {  	_ =	shalt  }
0x67: {  	_ =	shalt  }
0x68: {  	_ =	shalt  }
0x69: {  	_ =	shalt  }
0x6a: {  	_ =	shalt  }
0x6b: {  	_ =	shalt  }
0x6c: {  	_ =	shalt  }
0x6d: {  	_ =	shalt  }
0x6e: {  	_ =	shalt  }
0x6f: {  	_ =	shalt  }
0x70: {  	_ =	shalt  }
0x71: {  	_ =	shalt  }
0x72: {  	_ =	shalt  }
0x73: {  	_ =	shalt  }
0x74: {  	_ =	shalt  }
0x75: {  	_ =	shalt  }
0x76: {  	_ =	shalt  }
0x77: {  	_ =	shalt  }
0x78: {  	_ =	shalt  }
0x79: {  	_ =	shalt  }
0x7a: {  	_ =	shalt  }
0x7b: {  	_ =	shalt  }
0x7c: {  	_ =	shalt  }
0x7d: {  	_ =	shalt  }
0x7e: {  	_ =	shalt  }
0x7f: {  	_ =	shalt  }
0x80: {  	_ =	shalt  }
0x81: {  	_ =	shalt  }
0x82: {  	_ =	shalt  }
0x83: {  	_ =	shalt  }
0x84: {  	_ =	shalt  }
0x85: {  	_ =	shalt  }
0x86: {  	_ =	shalt  }
0x87: {  	_ =	shalt  }
.Lfunc_end0:
.L_simem_size_0:
called_computation.1_lowered:
.L_overlay_start_0:
0x88: {  	s2 =	sld [smem:$0x3FD9]  }
0x89: {  	s3 =	sld [smem:$0x3FFE];
	_ =	sdelay $0x1  }
0x8a: {  	s1 =	srdreg.scid  }
0x8b: {  	s0 =	sand.u32 $0x1, s1  }
0x8c: {  	s17 =	sshll.u32 s0, $0xA;
	s2 =	sadd.s32 s3, s2  }
0x8d: {  	s2 =	sadd.s32 s2, s17  }
0x8e: {  	[smem:$0x3FC2] =	sst s2  }
0x8f: {  	_ = 	snop  }
0x90: {  	s2 =	sld [smem:$0x3FD0];
	(tm) =	ssettm $0x1  }
0x91: {  	s18 =	sld [smem:$0x3FFB];
	_ =	sdelay $0x3  }
0x92: {  	_ =	strace s18  }
0x93: {  	s3 =	sld [smem:$0x3FFC];
	_ =	sdelay $0x3  }
0x94: {  	_ =	strace s3  }
0x95: {  	s3 =	sld [smem:$0x3FFD];
	_ =	sdelay $0x3  }
0x96: {  	_ =	strace s3  }
0x97: {  	_ =	strace $0x8FFFFFFF  }
0x98: {  	s19 =	sld [smem:$0x3FDB];
	_ =	sdelay $0x1  }
0x99: {  	s4 =	simm.s32 $_scs_section_size  }
0x9a: {  	s5 =	simm.s32 $_size__tile_overlayer_lowered;
	s6 =	simm.s32 $_tile_overlayer_lowered  }
0x9b: {  	s22 =	simm.s32 $0x1BFF;
	s21 =	sshll.u32 s6, $0x1;
	s3 =	sadd.s32 s4, s19  }
0x9c: {  	s7 =	simm.s32 $0x0;
	s20 =	sshll.u32 s5, $0x1;
	s5 =	sadd.s32 s21, s3  }
0x9d: {  	[timem:s7], [sflag:s22] =	dma.local [hbm:s5], s20  }
0x9e: {  	_ =	swait.ge [sflag:s22], s20  }
0x9f: {  	s4 =	ssub.s32 $0x0, s20;
	[sflag:s22] =	ssyncset.done $0x0  }
0xa0: {  	[sflag:s22] =	ssyncadd.s32 s4;
	_ =	sdelay $0x1  }
0xa1: {  	s23 =	simm.s32 $0x1B8B  }
0xa2: {  	_ =	swait.ge [sflag:s23], $0x1  }
0xa3: {  	[sflag:s23] =	ssyncset.done $0x0  }
0xa4: {  	s25 =	simm.s32 $0x1B8E;
	s24 =	sld [smem:$0x3FFE];
	[sflag:s23] =	ssyncadd.s32 $0xFFFFFFFF  }
0xa5: {  	s26 =	simm.s32 $execute0_lowered;
	[smem:$0x3FD2] =	sst s25  }
0xa6: {  	s5 =	sshll.u32 s26, $0x1;
	_ =	strace $0x80000049;
	[dreg:$0x1] =	wrdreg $0xFFFFFFFF  }
0xa7: {  	s28 =	simm.s32 $_size_execute0_lowered;
	s3 =	sadd.s32 s3, s5;
	[dreg:$0x0] =	wrdreg $0x0  }
0xa8: {  	s5 =	sshll.u32 s28, $0x1;
	[dreg:$0x2] =	wrdreg s3  }
0xa9: {  	[dreg:$0x3] =	wrdreg s5  }
0xaa: {  	[dreg:$0x4] =	wrdreg $0xC0  }
0xab: {  	_ =	task [dreg:s7], $0x5FFFF  }
0xac: {  	[dreg:$0x1] =	wrdreg $0xFFFFFFFF  }
0xad: {  	[dreg:$0x0] =	wrdreg $0x60  }
0xae: {  	[dreg:$0x2] =	wrdreg s24  }
0xaf: {  	[dreg:$0x3] =	wrdreg s2  }
0xb0: {  	[dreg:$0x4] =	wrdreg $0x29000  }
0xb1: {  	[dreg:$0x5] =	wrdreg $0x9  }
0xb2: {  	_ =	task.clear_ibuf [dreg:s7], $0x6FFFF;
	_ =	strace $0x90000049  }
0xb3: {  	s29 =	simm.s32 $0x9;
	_ =	strace $0x8000004B  }
0xb4: {  	_ =	swait.ge [sflag:s29], $0x1  }
0xb5: {  	[sflag:s29] =	ssyncadd.s32 $0xFFFFFFFF  }
0xb6: {  	_ =	strace $0x9000004B  }
0xb7: {  	_ =	sfence  }
0xb8: {  	s30 =	sld [smem:$0x0];
	_ =	sdelay $0x2  }
0xb9: {  	s31 =	sshll.u32 s1, $0xD;
	s1 =	sshrl.u32 s1, $0x2  }
0xba: {  	s3 =	sand.u32 $0x4000, s31;
	s1 =	sadd.s32 s1, s30  }
0xbb: {  	s0 =	sor.u32 s3, s0;
	s1 =	sshll.u32 s1, $0x11  }
0xbc: {  	s0 =	sor.u32 s1, s0  }
0xbd: {  	s0 =	sadd.s32 $0x8F2B, s0  }
0xbe: {  	[sflag:s0] =	ssyncadd.remote.s32 $0x1  }
0xbf: {  	_ =	sfence.sel $0xFFFF  }
0xc0: {  	[dreg:$0x0] =	wrdreg $0xFFFFFFFF;
	(pc) =	sbr.abs _section_cstart, $3  }
0xc1: {  	[dreg:$0x1] =	wrdreg $0xFFFFFFFF  }
0xc2: {  	_ =	task.clear_ibuf [dreg:s7], $0x2FFFF;
	_ =	strace $0x9FFFFFFF  }
0xc3: {  	(tm) =	ssettm $0x7FFFFFFF  }
tec
execute0_lowered:
.L_overlay_start_1:
0x0: {  	(tag) =	ssettag $0x1  }
0x1: {  	s6 =	rddreg [dreg:$0x0]  }
0x2: {  	s1 =	srdreg.scid;
	s10 =	rddreg [dreg:$0x1]  }
0x3: {  	s0 =	stileid.u32;
	s2 =	rddreg [dreg:$0x2]  }
0x4: {  	s3 =	simm.s32 $0x0;
	s15 =	simm.s32 $0x100;
	s4 =	smul.u32 $0x4E20, s0  }
0x5: {  	s16 =	simm.s32 $0x1;
	s17 =	simm.s32 $0x0;
	s9 =	smul.u32 $0x14000, s0  }
0x6: {  	s7 =	sand.u32 $0x1, s1;
	s1 =	rddreg [dreg:$0x3];
	s29 =	smul.u32 $0x50000, s0  }
0x7: {  	[smem:$0x7FF] =	sst s3;
	s31 =	sshll.u32 s0, $0x6;
	s5 =	smul.u32 $0x2710, s7  }
0x8: {  	s8 =	smul.u32 $0x140000, s7;
	_ =	strace $0x8000004A;
	s7 =	ssub.s32 $0x2, s7  }
0x9: {  	s30 =	sshrl.u32 s7, $0x1;
	s5 =	sadd.s32 s5, s4;
	s4 =	sadd.s32 $0xBC00, s6  }
0xa: {  	s8 =	sadd.s32 s9, s8;
	s9 =	sshrl.u32 s29, $0x2;
	s13 =	ssub.s32 s7, s30  }
0xb: {  	s11 =	sshrl.u32 s5, $0x3;
	s5 =	sadd.s32 $0x33C00, s6;
	s8 =	sshrl.u32 s8, $0x3  }
0xc: {  	s14 =	sadd.s32 s9, s2;
	s12 =	sadd.s32 s11, s6;
	s8 =	sadd.s32 s8, s6  }
0xd: {  	s6 =	sor.u32 $0x1C02, s31;
	s10 =	sadd.s32 s11, s10;
	s11 =	sshrl.u32 s14, $0x3  }
0xe: {  	s14 =	simm.s32 $0x50;
	s7 =	sadd.s32 $0x36400, s8;
	s8 =	smax.u32 s13, $0x1  }
0xf: {  	s9 =	sadd.s32 $0x1E00, s12;
	s12 =	simm.s32 $0x2;
	s13 =	simm.s32 $0x80  }
.LBB2_1:
0x10: {  	[spmem:s11], [sflag:s6] =	dma.local [hbm:s5], $0x2800  }
0x11: {  	_ =	swait.ge [sflag:s12], $0x2800  }
0x12: {  	[sflag:s12] =	ssyncset.done $0x0  }
0x13: {  	[sflag:s12] =	ssyncadd.s32 $0xFFFFD800  }
0x14: {  	s18 =	sadd.s32 $0x0, s10;
	[bflag:$0x0] =	sbarrier.arrive $0xFFFF  }
0x15: {  	[tilespmem:s3], [sflag:$0x2] =	stream.linear.gather [hbm4b:s18+s3], $0x50, $0x38;
	[tilespmem:$0x16900] =	vst v63  }
0x16: {  	_ =	swait.ge [sflag:s12], $0x50  }
0x17: {  	[sflag:s12] =	ssyncset.done $0x0  }
0x18: {  	s31 =	sadd.s32 $0x0, s9;
	[sflag:s12] =	ssyncadd.s32 $0xFFFFFFB0  }
0x19: {  	[tilespmem:s13], [sflag:$0x2] =	stream.linear.gather [hbm4b:s31+s3], $0x50, $0x38;
	[tilespmem:$0x16900] =	vst v63  }
0x1a: {  	_ =	swait.ge [sflag:s12], $0x50  }
0x1b: {  	[sflag:s12] =	ssyncset.done $0x0  }
0x1c: {  	[sflag:s12] =	ssyncadd.s32 $0xFFFFFFB0  }
0x1d: {  	[tilespmem:s15], [sflag:$0x1] =	stream.indirect.gather [hbm4b:s4+s14], $0x80, s3, s14, $0xb8;
	[tilespmem:$0x16900] =	vst v63  }
0x1e: {  	_ =	swait.ge [sflag:s16], $0x2800  }
0x1f: {  	[sflag:s16] =	ssyncset.done $0x0  }
0x20: {  	[sflag:s16] =	ssyncadd.s32 $0xFFFFD800  }
0x21: {  	[spmem:s2] =	stream.indirect.scatter.add.f32 [tilespmem:s15], [sflag:$0x2], $0x80, s13, s14, $0xb8;
	[tilespmem:$0x16900] =	vst v63  }
0x22: {  	_ =	swait.ge [sflag:s12], $0x2800  }
0x23: {  	s19 =	simm.s32 $0x14;
	s18 =	simm.s32 $0xA;
	[sflag:s12] =	ssyncset.done $0x0  }
.LBB2_2:
0x24: {  	s20 =	sadd.s32 s18, s10  }
0x25: {  	[sflag:s12] =	ssyncadd.s32 $0xFFFFD800;
	s21 =	smov.u32 s19;
	s22 =	sadd.s32 $0xA, s19  }
0x26: {  	[tilespmem:s3], [sflag:$0x2] =	stream.linear.gather [hbm4b:s20+s3], $0x50, $0x38;
	[tilespmem:$0x16900] =	vst v63  }
0x27: {  	p0 =	sne.s32 s19, $0x4D8;
	_ =	swait.ge [sflag:s12], $0x50  }
0x28: {  	[sflag:s12] =	ssyncset.done $0x0  }
0x29: {  	s19 =	sadd.s32 s18, s9;
	s18 =	smov.u32 s21;
	[sflag:s12] =	ssyncadd.s32 $0xFFFFFFB0  }
0x2a: {  	[tilespmem:s13], [sflag:$0x2] =	stream.linear.gather [hbm4b:s19+s3], $0x50, $0x38;
	[tilespmem:$0x16900] =	vst v63  }
0x2b: {  	_ =	swait.ge [sflag:s12], $0x50  }
0x2c: {  	[sflag:s12] =	ssyncset.done $0x0  }
0x2d: {  	[sflag:s12] =	ssyncadd.s32 $0xFFFFFFB0  }
0x2e: {  	[tilespmem:s15], [sflag:$0x1] =	stream.indirect.gather [hbm4b:s4+s14], $0x80, s3, s14, $0xb8;
	[tilespmem:$0x16900] =	vst v63  }
0x2f: {  	_ =	swait.ge [sflag:s16], $0x2800  }
.Ltmp0:
0x30: {  	[sflag:s16] =	ssyncset.done $0x0;
	(pc) =	sbr.rel @p0 .LBB2_2-.Ltmp0, $4  }
0x31: {  	[sflag:s16] =	ssyncadd.s32 $0xFFFFD800  }
0x32: {  	[spmem:s2] =	stream.indirect.scatter.add.f32 [tilespmem:s15], [sflag:$0x2], $0x80, s13, s14, $0xb8;
	[tilespmem:$0x16900] =	vst v63  }
0x33: {  	_ =	swait.ge [sflag:s12], $0x2800  }
0x34: {  	s19 =	smov.u32 s22;
	[sflag:s12] =	ssyncset.done $0x0  }
0x35: {  	s19 =	sadd.s32 s18, s10;
	[sflag:s12] =	ssyncadd.s32 $0xFFFFD800  }
0x36: {  	[tilespmem:s3], [sflag:$0x2] =	stream.linear.gather [hbm4b:s19+s3], $0x50, $0x38;
	[tilespmem:$0x16900] =	vst v63  }
0x37: {  	_ =	swait.ge [sflag:s12], $0x50  }
0x38: {  	[sflag:s12] =	ssyncset.done $0x0  }
0x39: {  	s31 =	sadd.s32 s18, s9;
	[sflag:s12] =	ssyncadd.s32 $0xFFFFFFB0  }
0x3a: {  	[tilespmem:s13], [sflag:$0x2] =	stream.linear.gather [hbm4b:s31+s3], $0x50, $0x38;
	[tilespmem:$0x16900] =	vst v63  }
0x3b: {  	_ =	swait.ge [sflag:s12], $0x50  }
0x3c: {  	[sflag:s12] =	ssyncset.done $0x0  }
0x3d: {  	[sflag:s12] =	ssyncadd.s32 $0xFFFFFFB0  }
0x3e: {  	[tilespmem:s15], [sflag:$0x1] =	stream.indirect.gather [hbm4b:s4+s14], $0x80, s3, s14, $0xb8;
	[tilespmem:$0x16900] =	vst v63  }
0x3f: {  	_ =	swait.ge [sflag:s16], $0x2800  }
0x40: {  	[sflag:s16] =	ssyncset.done $0x0  }
0x41: {  	[sflag:s16] =	ssyncadd.s32 $0xFFFFD800  }
0x42: {  	[spmem:s2] =	stream.indirect.scatter.add.f32 [tilespmem:s15], [sflag:$0x2], $0x80, s13, s14, $0xb8;
	[tilespmem:$0x16900] =	vst v63  }
0x43: {  	_ =	swait.ge [sflag:s12], $0x2800  }
0x44: {  	s17 =	sadd.s32 $0x1, s17;
	[sflag:s12] =	ssyncset.done $0x0  }
0x45: {  	p0 =	sne.s32 s17, s8;
	[sflag:s12] =	ssyncadd.s32 $0xFFFFD800  }
.Ltmp1:
0x46: {  	[bflag:$0x0] =	sbarrier.arrive $0xFFFF;
	(pc) =	sbr.rel @p0 .LBB2_1-.Ltmp1, $4  }
0x47: {  	[hbm:s7], [sflag:s6] =	dma.local [spmem:s11], $0x2800  }
0x48: {  	_ =	swait.ge [sflag:s12], $0x2800  }
0x49: {  	[sflag:s12] =	ssyncset.done $0x0  }
0x4a: {  	[sflag:s12] =	ssyncadd.s32 $0xFFFFD800  }
0x4b: {  	_ =	sfence.sel $0x180000  }
0x4c: {  	[bflag:$0x0] =	sbarrier.arrive $0xFFFF  }
0x4d: {  	p0 =	sne.s32 s0, $0x0;
	_ =	strace $0x9000004A  }
0x4e: {  	s0 =	sadd.s32 @!p0 $0x100000, s1;
	[bflag:$0x2] =	sbarrier.arrive $0xFFFF  }
0x4f: {  	[sflag:s0] =	ssyncadd.tile.s32 @!p0 $0x1;
	_ =	shalt  }
.Lfunc_end2:
_tile_overlayer_lowered:
.L_overlay_start_2:
0x50: {  	(tag) =	ssettag $0x2  }
0x51: {  	s0 =	rddreg [dreg:$0x0];
	s2 =	stileid.u32  }
0x52: {  	s1 =	rddreg [dreg:$0x1];
	p0 =	sne.s32 s2, $0x0  }
0x53: {  	s3 =	rddreg [dreg:$0x2];
	[bflag:$0x3] =	sbarrier.arrive $0xFFFF;
	s2 =	simm.s32 @!p0 $0x1C02  }
0x54: {  	[timem:s3], [sflag:s2] =	dma.local @!p0 [hbm:s0], s1  }
0x55: {  	s0 =	simm.s32 @!p0 $0x2  }
0x56: {  	_ =	swait.ge @!p0 [sflag:s0], s1  }
0x57: {  	s1 =	ssub.s32 @!p0 $0x0, s1;
	[sflag:s0] =	ssyncset.done @!p0 $0x0  }
0x58: {  	[sflag:s0] =	ssyncadd.s32 @!p0 s1  }
0x59: {  	[bflag:$0x3] =	sbarrier.arrive $0xFFFF  }
0x5a: {  	_ =	shalt  }

// kernel: kernel.14.cloned.1.call-start
scs
__scs_entry_jumppad:
0x0: {  	(pc) =	sbr.rel $0x88, $3  }
0x1: {  	(tag) =	ssettag $0x0;
	lr =	simm.s32 $0x1  }
0x2: {  	[smem:$0x3F9B] =	sst lr;
	_ =	strace $0xD0000000  }
0x3: {  	_ = 	snop  }
0x4: {  	_ = 	snop  }
0x5: {  	_ = 	snop  }
0x6: {  	_ = 	snop  }
0x7: {  	_ = 	snop  }
__scs_overlays_trampoline_lowered:
0x8: {  	[smem:$0x3FAA] =	sst s0  }
0x9: {  	[smem:$0x3FAB] =	sst s1  }
0xa: {  	[smem:$0x3FAC] =	sst s2  }
0xb: {  	[smem:$0x3FAD] =	sst s3  }
0xc: {  	[smem:$0x3FAE] =	sst s4  }
0xd: {  	[smem:$0x3FAF] =	sst s5  }
0xe: {  	[smem:$0x3FB0] =	sst s6  }
0xf: {  	[smem:$0x3FB1] =	sst s7  }
0x10: {  	[smem:$0x3FB2] =	sst s8  }
0x11: {  	[smem:$0x3FB3] =	sst s9;
	s0 =	simm.s32 @!p0 $0x0  }
0x12: {  	s1 =	sld [smem:$0x3F99];
	s0 =	simm.s32 @p0 $0x1  }
0x13: {  	[smem:$0x3FB4] =	sst s0;
	s0 =	simm.s32 @!p1 $0x0  }
0x14: {  	s2 =	sld [smem:$0x3F98];
	s0 =	simm.s32 @p1 $0x1  }
0x15: {  	[smem:$0x3FB5] =	sst s0;
	s0 =	simm.s32 @!p2 $0x0  }
0x16: {  	s3 =	sld [smem:$0x3FDB];
	s0 =	simm.s32 @p2 $0x1  }
0x17: {  	s4 =	simm.s32 $0x1BF5;
	[smem:$0x3FB7] =	sst s0  }
0x18: {  	s0 =	sld [smem:$0x3F9A];
	_ =	swait.ge [sflag:s4], $0x0  }
0x19: {  	s7 =	sld [smem:$0x3F9B]  }
0x1a: {  	s8 =	sadd.s32 $0xFFFFE003, lr  }
0x1b: {  	s9 =	sadd.s32 $0xFFFFFEF7, lr;
	s5 =	simm.s32 $0xFFFFFFFF;
	p2 =	slt.u32 s8, $0xFFFFF086  }
0x1c: {  	p1 =	slt.u32 s9, $0xF7A;
	s5 =	simm.s32 @!p2 $0x0  }
0x1d: {  	s5 =	simm.s32 @p1 $0x1;
	p0 =	seq.s32 s7, s2  }
0x1e: {  	s7 =	smul.u32 @!p0 $0xF7A, s2;
	p2 =	seq.s32 @!p0 s5, $0x0  }
0x1f: {  	s9 =	smul.u32 $0xF7A, s1;
	s8 =	simm.s32 @!p0 $0x1BF5;
	p2 =	por !p2, p0  }
0x20: {  	[sflag:s8] =	ssyncset.s32 @!p0 $0xFFFFF086;
	s6 =	sadd.s32 @!p0 s3, s7;
	s7 =	simm.s32 @!p0 $0x108  }
0x21: {  	s3 =	sadd.s32 s3, s9;
	s6 =	sadd.s32 @!p0 $0x88, s6;
	s7 =	simm.s32 @p2 $0x1082  }
0x22: {  	[simem:s7], [sflag:s8] =	dma.local @!p0 [hbm:s6], $0xF7A  }
0x23: {  	s9 =	sor.u32 $0xD0000000, s2;
	s6 =	simm.s32 $0x108;
	_ =	swait.ge @!p0 [sflag:s8], $0x0  }
0x24: {  	s3 =	sadd.s32 $0x88, s3;
	s6 =	simm.s32 @!p1 $0x1082;
	[sflag:s4] =	ssyncset.s32 $0xFFFFF086  }
0x25: {  	[simem:s6], [sflag:s4] =	dma.local [hbm:s3], $0xF7A  }
0x26: {  	[smem:$0x3F9B] =	sst s1;
	(tag) =	ssettag s2;
	_ =	strace s9  }
0x27: {  	s1 =	sld [smem:$0x3FAB]  }
0x28: {  	s2 =	sld [smem:$0x3FAC]  }
0x29: {  	s4 =	sld [smem:$0x3FAE]  }
0x2a: {  	p0 =	seq.s32 s5, $0x0;
	s5 =	sld [smem:$0x3FAF]  }
0x2b: {  	s6 =	sld [smem:$0x3FB0]  }
0x2c: {  	s7 =	sld [smem:$0x3FB1]  }
0x2d: {  	s3 =	simm.s32 $0x108;
	s8 =	sld [smem:$0x3FB2]  }
0x2e: {  	s3 =	simm.s32 @!p0 $0x1082;
	s9 =	sld [smem:$0x3FB3]  }
0x2f: {  	lr =	sadd.s32 s0, s3;
	s0 =	sld [smem:$0x3FAA]  }
0x30: {  	s3 =	sld [smem:$0x3FAD]  }
0x31: {  	[smem:$0x3FB6] =	sst s10  }
0x32: {  	s10 =	sld [smem:$0x3FB4];
	_ =	sdelay $0x3  }
0x33: {  	p0 =	seq.s32 s10, $0x1;
	s10 =	sld [smem:$0x3FB6];
	_ =	sdelay $0x3  }
0x34: {  	[smem:$0x3FB6] =	sst s10  }
0x35: {  	s10 =	sld [smem:$0x3FB5];
	_ =	sdelay $0x3  }
0x36: {  	p1 =	seq.s32 s10, $0x1;
	s10 =	sld [smem:$0x3FB6];
	_ =	sdelay $0x3  }
0x37: {  	[smem:$0x3FB6] =	sst s10  }
0x38: {  	s10 =	sld [smem:$0x3FB7]  }
0x39: {  	_ = 	snop;
	(pc) =	sbr.ind lr, $3  }
0x3a: {  	_ = 	snop  }
0x3b: {  	_ = 	snop  }
0x3c: {  	p2 =	seq.s32 s10, $0x1;
	s10 =	sld [smem:$0x3FB6]  }
0x3d: {  	_ =	shalt  }
0x3e: {  	_ =	shalt  }
0x3f: {  	_ =	shalt  }
0x40: {  	_ =	shalt  }
0x41: {  	_ =	shalt  }
0x42: {  	_ =	shalt  }
0x43: {  	_ =	shalt  }
0x44: {  	_ =	shalt  }
0x45: {  	_ =	shalt  }
0x46: {  	_ =	shalt  }
0x47: {  	_ =	shalt  }
0x48: {  	_ =	shalt  }
0x49: {  	_ =	shalt  }
0x4a: {  	_ =	shalt  }
0x4b: {  	_ =	shalt  }
0x4c: {  	_ =	shalt  }
0x4d: {  	_ =	shalt  }
0x4e: {  	_ =	shalt  }
0x4f: {  	_ =	shalt  }
0x50: {  	_ =	shalt  }
0x51: {  	_ =	shalt  }
0x52: {  	_ =	shalt  }
0x53: {  	_ =	shalt  }
0x54: {  	_ =	shalt  }
0x55: {  	_ =	shalt  }
0x56: {  	_ =	shalt  }
0x57: {  	_ =	shalt  }
0x58: {  	_ =	shalt  }
0x59: {  	_ =	shalt  }
0x5a: {  	_ =	shalt  }
0x5b: {  	_ =	shalt  }
0x5c: {  	_ =	shalt  }
0x5d: {  	_ =	shalt  }
0x5e: {  	_ =	shalt  }
0x5f: {  	_ =	shalt  }
0x60: {  	_ =	shalt  }
0x61: {  	_ =	shalt  }
0x62: {  	_ =	shalt  }
0x63: {  	_ =	shalt  }
0x64: {  	_ =	shalt  }
0x65: {  	_ =	shalt  }
0x66: {  	_ =	shalt  }
0x67: {  	_ =	shalt  }
0x68: {  	_ =	shalt  }
0x69: {  	_ =	shalt  }
0x6a: {  	_ =	shalt  }
0x6b: {  	_ =	shalt  }
0x6c: {  	_ =	shalt  }
0x6d: {  	_ =	shalt  }
0x6e: {  	_ =	shalt  }
0x6f: {  	_ =	shalt  }
0x70: {  	_ =	shalt  }
0x71: {  	_ =	shalt  }
0x72: {  	_ =	shalt  }
0x73: {  	_ =	shalt  }
0x74: {  	_ =	shalt  }
0x75: {  	_ =	shalt  }
0x76: {  	_ =	shalt  }
0x77: {  	_ =	shalt  }
0x78: {  	_ =	shalt  }
0x79: {  	_ =	shalt  }
0x7a: {  	_ =	shalt  }
0x7b: {  	_ =	shalt  }
0x7c: {  	_ =	shalt  }
0x7d: {  	_ =	shalt  }
0x7e: {  	_ =	shalt  }
0x7f: {  	_ =	shalt  }
0x80: {  	_ =	shalt  }
0x81: {  	_ =	shalt  }
0x82: {  	_ =	shalt  }
0x83: {  	_ =	shalt  }
0x84: {  	_ =	shalt  }
0x85: {  	_ =	shalt  }
0x86: {  	_ =	shalt  }
0x87: {  	_ =	shalt  }
.Lfunc_end0:
.L_simem_size_0:
called_computation.2_lowered:
.L_overlay_start_0:
0x88: {  	s2 =	sld [smem:$0x3FD9]  }
0x89: {  	s3 =	sld [smem:$0x3FFE];
	_ =	sdelay $0x1  }
0x8a: {  	s1 =	srdreg.scid  }
0x8b: {  	s0 =	sand.u32 $0x1, s1  }
0x8c: {  	s17 =	sshll.u32 s0, $0xA;
	s2 =	sadd.s32 s3, s2  }
0x8d: {  	s2 =	sadd.s32 s2, s17  }
0x8e: {  	[smem:$0x3FC2] =	sst s2  }
0x8f: {  	_ = 	snop  }
0x90: {  	s2 =	sld [smem:$0x3FD0];
	(tm) =	ssettm $0x1  }
0x91: {  	s18 =	sld [smem:$0x3FFB];
	_ =	sdelay $0x3  }
0x92: {  	_ =	strace s18  }
0x93: {  	s3 =	sld [smem:$0x3FFC];
	_ =	sdelay $0x3  }
0x94: {  	_ =	strace s3  }
0x95: {  	s3 =	sld [smem:$0x3FFD];
	_ =	sdelay $0x3  }
0x96: {  	_ =	strace s3  }
0x97: {  	_ =	strace $0x8FFFFFFF  }
0x98: {  	s19 =	sld [smem:$0x3FDB];
	_ =	sdelay $0x1  }
0x99: {  	s4 =	simm.s32 $_scs_section_size  }
0x9a: {  	s5 =	simm.s32 $_size__tile_overlayer_lowered;
	s6 =	simm.s32 $_tile_overlayer_lowered  }
0x9b: {  	s22 =	simm.s32 $0x1BFF;
	s21 =	sshll.u32 s6, $0x1;
	s3 =	sadd.s32 s4, s19  }
0x9c: {  	s7 =	simm.s32 $0x0;
	s20 =	sshll.u32 s5, $0x1;
	s5 =	sadd.s32 s21, s3  }
0x9d: {  	[timem:s7], [sflag:s22] =	dma.local [hbm:s5], s20  }
0x9e: {  	_ =	swait.ge [sflag:s22], s20  }
0x9f: {  	s4 =	ssub.s32 $0x0, s20;
	[sflag:s22] =	ssyncset.done $0x0  }
0xa0: {  	[sflag:s22] =	ssyncadd.s32 s4;
	_ =	sdelay $0x1  }
0xa1: {  	s23 =	simm.s32 $0x1B8B  }
0xa2: {  	_ =	swait.ge [sflag:s23], $0x1  }
0xa3: {  	[sflag:s23] =	ssyncset.done $0x0  }
0xa4: {  	s25 =	simm.s32 $0x1B8E;
	s24 =	sld [smem:$0x3FFE];
	[sflag:s23] =	ssyncadd.s32 $0xFFFFFFFF  }
0xa5: {  	s26 =	simm.s32 $execute0_lowered;
	[smem:$0x3FD2] =	sst s25  }
0xa6: {  	s5 =	sshll.u32 s26, $0x1;
	_ =	strace $0x8000004C;
	[dreg:$0x1] =	wrdreg $0xFFFFFFFF  }
0xa7: {  	s28 =	simm.s32 $_size_execute0_lowered;
	s3 =	sadd.s32 s3, s5;
	[dreg:$0x0] =	wrdreg $0x0  }
0xa8: {  	s5 =	sshll.u32 s28, $0x1;
	[dreg:$0x2] =	wrdreg s3  }
0xa9: {  	[dreg:$0x3] =	wrdreg s5  }
0xaa: {  	[dreg:$0x4] =	wrdreg $0xC0  }
0xab: {  	_ =	task [dreg:s7], $0x5FFFF  }
0xac: {  	[dreg:$0x1] =	wrdreg $0xFFFFFFFF  }
0xad: {  	[dreg:$0x0] =	wrdreg $0x60  }
0xae: {  	[dreg:$0x2] =	wrdreg s24  }
0xaf: {  	[dreg:$0x3] =	wrdreg s2  }
0xb0: {  	[dreg:$0x4] =	wrdreg $0x29000  }
0xb1: {  	[dreg:$0x5] =	wrdreg $0x9  }
0xb2: {  	_ =	task.clear_ibuf [dreg:s7], $0x6FFFF;
	_ =	strace $0x9000004C  }
0xb3: {  	s29 =	simm.s32 $0x9;
	_ =	strace $0x8000004E  }
0xb4: {  	_ =	swait.ge [sflag:s29], $0x1  }
0xb5: {  	[sflag:s29] =	ssyncadd.s32 $0xFFFFFFFF  }
0xb6: {  	_ =	strace $0x9000004E  }
0xb7: {  	_ =	sfence  }
0xb8: {  	s30 =	sld [smem:$0x0];
	_ =	sdelay $0x2  }
0xb9: {  	s31 =	sshll.u32 s1, $0xD;
	s1 =	sshrl.u32 s1, $0x2  }
0xba: {  	s3 =	sand.u32 $0x4000, s31;
	s1 =	sadd.s32 s1, s30  }
0xbb: {  	s0 =	sor.u32 s3, s0;
	s1 =	sshll.u32 s1, $0x11  }
0xbc: {  	s0 =	sor.u32 s1, s0  }
0xbd: {  	s0 =	sadd.s32 $0x8F2B, s0  }
0xbe: {  	[sflag:s0] =	ssyncadd.remote.s32 $0x1  }
0xbf: {  	_ =	sfence.sel $0xFFFF  }
0xc0: {  	[dreg:$0x0] =	wrdreg $0xFFFFFFFF;
	(pc) =	sbr.abs _section_cstart, $3  }
0xc1: {  	[dreg:$0x1] =	wrdreg $0xFFFFFFFF  }
0xc2: {  	_ =	task.clear_ibuf [dreg:s7], $0x2FFFF;
	_ =	strace $0x9FFFFFFF  }
0xc3: {  	(tm) =	ssettm $0x7FFFFFFF  }
tec
execute0_lowered:
.L_overlay_start_1:
0x0: {  	(tag) =	ssettag $0x1  }
0x1: {  	s6 =	rddreg [dreg:$0x0]  }
0x2: {  	s1 =	srdreg.scid;
	s10 =	rddreg [dreg:$0x1]  }
0x3: {  	s0 =	stileid.u32;
	s2 =	rddreg [dreg:$0x2]  }
0x4: {  	s3 =	simm.s32 $0x0;
	s15 =	simm.s32 $0x100;
	s4 =	smul.u32 $0x4E20, s0  }
0x5: {  	s16 =	simm.s32 $0x1;
	s17 =	simm.s32 $0x0;
	s9 =	smul.u32 $0x14000, s0  }
0x6: {  	s7 =	sand.u32 $0x1, s1;
	s1 =	rddreg [dreg:$0x3];
	s29 =	smul.u32 $0x50000, s0  }
0x7: {  	[smem:$0x7FF] =	sst s3;
	s31 =	sshll.u32 s0, $0x6;
	s5 =	smul.u32 $0x2710, s7  }
0x8: {  	s8 =	smul.u32 $0x140000, s7;
	_ =	strace $0x8000004D;
	s7 =	ssub.s32 $0x2, s7  }
0x9: {  	s30 =	sshrl.u32 s7, $0x1;
	s5 =	sadd.s32 s5, s4;
	s4 =	sadd.s32 $0xBC00, s6  }
0xa: {  	s8 =	sadd.s32 s9, s8;
	s9 =	sshrl.u32 s29, $0x2;
	s13 =	ssub.s32 s7, s30  }
0xb: {  	s11 =	sshrl.u32 s5, $0x3;
	s5 =	sadd.s32 $0x33C00, s6;
	s8 =	sshrl.u32 s8, $0x3  }
0xc: {  	s14 =	sadd.s32 s9, s2;
	s12 =	sadd.s32 s11, s6;
	s8 =	sadd.s32 s8, s6  }
0xd: {  	s6 =	sor.u32 $0x1C02, s31;
	s10 =	sadd.s32 s11, s10;
	s11 =	sshrl.u32 s14, $0x3  }
0xe: {  	s14 =	simm.s32 $0x50;
	s7 =	sadd.s32 $0x36400, s8;
	s8 =	smax.u32 s13, $0x1  }
0xf: {  	s9 =	sadd.s32 $0x1E00, s12;
	s12 =	simm.s32 $0x2;
	s13 =	simm.s32 $0x80  }
.LBB2_1:
0x10: {  	[spmem:s11], [sflag:s6] =	dma.local [hbm:s5], $0x2800  }
0x11: {  	_ =	swait.ge [sflag:s12], $0x2800  }
0x12: {  	[sflag:s12] =	ssyncset.done $0x0  }
0x13: {  	[sflag:s12] =	ssyncadd.s32 $0xFFFFD800  }
0x14: {  	s18 =	sadd.s32 $0x0, s10;
	[bflag:$0x0] =	sbarrier.arrive $0xFFFF  }
0x15: {  	[tilespmem:s3], [sflag:$0x2] =	stream.linear.gather [hbm4b:s18+s3], $0x50, $0x38;
	[tilespmem:$0x16900] =	vst v63  }
0x16: {  	_ =	swait.ge [sflag:s12], $0x50  }
0x17: {  	[sflag:s12] =	ssyncset.done $0x0  }
0x18: {  	s31 =	sadd.s32 $0x0, s9;
	[sflag:s12] =	ssyncadd.s32 $0xFFFFFFB0  }
0x19: {  	[tilespmem:s13], [sflag:$0x2] =	stream.linear.gather [hbm4b:s31+s3], $0x50, $0x38;
	[tilespmem:$0x16900] =	vst v63  }
0x1a: {  	_ =	swait.ge [sflag:s12], $0x50  }
0x1b: {  	[sflag:s12] =	ssyncset.done $0x0  }
0x1c: {  	[sflag:s12] =	ssyncadd.s32 $0xFFFFFFB0  }
0x1d: {  	[tilespmem:s15], [sflag:$0x1] =	stream.indirect.gather [hbm4b:s4+s14], $0x80, s3, s14, $0xb8;
	[tilespmem:$0x16900] =	vst v63  }
0x1e: {  	_ =	swait.ge [sflag:s16], $0x2800  }
0x1f: {  	[sflag:s16] =	ssyncset.done $0x0  }
0x20: {  	[sflag:s16] =	ssyncadd.s32 $0xFFFFD800  }
0x21: {  	[spmem:s2] =	stream.indirect.scatter.add.f32 [tilespmem:s15], [sflag:$0x2], $0x80, s13, s14, $0xb8;
	[tilespmem:$0x16900] =	vst v63  }
0x22: {  	_ =	swait.ge [sflag:s12], $0x2800  }
0x23: {  	s19 =	simm.s32 $0x14;
	s18 =	simm.s32 $0xA;
	[sflag:s12] =	ssyncset.done $0x0  }
.LBB2_2:
0x24: {  	s20 =	sadd.s32 s18, s10  }
0x25: {  	[sflag:s12] =	ssyncadd.s32 $0xFFFFD800;
	s21 =	smov.u32 s19;
	s22 =	sadd.s32 $0xA, s19  }
0x26: {  	[tilespmem:s3], [sflag:$0x2] =	stream.linear.gather [hbm4b:s20+s3], $0x50, $0x38;
	[tilespmem:$0x16900] =	vst v63  }
0x27: {  	p0 =	sne.s32 s19, $0x4D8;
	_ =	swait.ge [sflag:s12], $0x50  }
0x28: {  	[sflag:s12] =	ssyncset.done $0x0  }
0x29: {  	s19 =	sadd.s32 s18, s9;
	s18 =	smov.u32 s21;
	[sflag:s12] =	ssyncadd.s32 $0xFFFFFFB0  }
0x2a: {  	[tilespmem:s13], [sflag:$0x2] =	stream.linear.gather [hbm4b:s19+s3], $0x50, $0x38;
	[tilespmem:$0x16900] =	vst v63  }
0x2b: {  	_ =	swait.ge [sflag:s12], $0x50  }
0x2c: {  	[sflag:s12] =	ssyncset.done $0x0  }
0x2d: {  	[sflag:s12] =	ssyncadd.s32 $0xFFFFFFB0  }
0x2e: {  	[tilespmem:s15], [sflag:$0x1] =	stream.indirect.gather [hbm4b:s4+s14], $0x80, s3, s14, $0xb8;
	[tilespmem:$0x16900] =	vst v63  }
0x2f: {  	_ =	swait.ge [sflag:s16], $0x2800  }
.Ltmp0:
0x30: {  	[sflag:s16] =	ssyncset.done $0x0;
	(pc) =	sbr.rel @p0 .LBB2_2-.Ltmp0, $4  }
0x31: {  	[sflag:s16] =	ssyncadd.s32 $0xFFFFD800  }
0x32: {  	[spmem:s2] =	stream.indirect.scatter.add.f32 [tilespmem:s15], [sflag:$0x2], $0x80, s13, s14, $0xb8;
	[tilespmem:$0x16900] =	vst v63  }
0x33: {  	_ =	swait.ge [sflag:s12], $0x2800  }
0x34: {  	s19 =	smov.u32 s22;
	[sflag:s12] =	ssyncset.done $0x0  }
0x35: {  	s19 =	sadd.s32 s18, s10;
	[sflag:s12] =	ssyncadd.s32 $0xFFFFD800  }
0x36: {  	[tilespmem:s3], [sflag:$0x2] =	stream.linear.gather [hbm4b:s19+s3], $0x50, $0x38;
	[tilespmem:$0x16900] =	vst v63  }
0x37: {  	_ =	swait.ge [sflag:s12], $0x50  }
0x38: {  	[sflag:s12] =	ssyncset.done $0x0  }
0x39: {  	s31 =	sadd.s32 s18, s9;
	[sflag:s12] =	ssyncadd.s32 $0xFFFFFFB0  }
0x3a: {  	[tilespmem:s13], [sflag:$0x2] =	stream.linear.gather [hbm4b:s31+s3], $0x50, $0x38;
	[tilespmem:$0x16900] =	vst v63  }
0x3b: {  	_ =	swait.ge [sflag:s12], $0x50  }
0x3c: {  	[sflag:s12] =	ssyncset.done $0x0  }
0x3d: {  	[sflag:s12] =	ssyncadd.s32 $0xFFFFFFB0  }
0x3e: {  	[tilespmem:s15], [sflag:$0x1] =	stream.indirect.gather [hbm4b:s4+s14], $0x80, s3, s14, $0xb8;
	[tilespmem:$0x16900] =	vst v63  }
0x3f: {  	_ =	swait.ge [sflag:s16], $0x2800  }
0x40: {  	[sflag:s16] =	ssyncset.done $0x0  }
0x41: {  	[sflag:s16] =	ssyncadd.s32 $0xFFFFD800  }
0x42: {  	[spmem:s2] =	stream.indirect.scatter.add.f32 [tilespmem:s15], [sflag:$0x2], $0x80, s13, s14, $0xb8;
	[tilespmem:$0x16900] =	vst v63  }
0x43: {  	_ =	swait.ge [sflag:s12], $0x2800  }
0x44: {  	s17 =	sadd.s32 $0x1, s17;
	[sflag:s12] =	ssyncset.done $0x0  }
0x45: {  	p0 =	sne.s32 s17, s8;
	[sflag:s12] =	ssyncadd.s32 $0xFFFFD800  }
.Ltmp1:
0x46: {  	[bflag:$0x0] =	sbarrier.arrive $0xFFFF;
	(pc) =	sbr.rel @p0 .LBB2_1-.Ltmp1, $4  }
0x47: {  	[hbm:s7], [sflag:s6] =	dma.local [spmem:s11], $0x2800  }
0x48: {  	_ =	swait.ge [sflag:s12], $0x2800  }
0x49: {  	[sflag:s12] =	ssyncset.done $0x0  }
0x4a: {  	[sflag:s12] =	ssyncadd.s32 $0xFFFFD800  }
0x4b: {  	_ =	sfence.sel $0x180000  }
0x4c: {  	[bflag:$0x0] =	sbarrier.arrive $0xFFFF  }
0x4d: {  	p0 =	sne.s32 s0, $0x0;
	_ =	strace $0x9000004D  }
0x4e: {  	s0 =	sadd.s32 @!p0 $0x100000, s1;
	[bflag:$0x2] =	sbarrier.arrive $0xFFFF  }
0x4f: {  	[sflag:s0] =	ssyncadd.tile.s32 @!p0 $0x1;
	_ =	shalt  }
.Lfunc_end2:
_tile_overlayer_lowered:
.L_overlay_start_2:
0x50: {  	(tag) =	ssettag $0x2  }
0x51: {  	s0 =	rddreg [dreg:$0x0];
	s2 =	stileid.u32  }
0x52: {  	s1 =	rddreg [dreg:$0x1];
	p0 =	sne.s32 s2, $0x0  }
0x53: {  	s3 =	rddreg [dreg:$0x2];
	[bflag:$0x3] =	sbarrier.arrive $0xFFFF;
	s2 =	simm.s32 @!p0 $0x1C02  }
0x54: {  	[timem:s3], [sflag:s2] =	dma.local @!p0 [hbm:s0], s1  }
0x55: {  	s0 =	simm.s32 @!p0 $0x2  }
0x56: {  	_ =	swait.ge @!p0 [sflag:s0], s1  }
0x57: {  	s1 =	ssub.s32 @!p0 $0x0, s1;
	[sflag:s0] =	ssyncset.done @!p0 $0x0  }
0x58: {  	[sflag:s0] =	ssyncadd.s32 @!p0 s1  }
0x59: {  	[bflag:$0x3] =	sbarrier.arrive $0xFFFF  }
0x5a: {  	_ =	shalt  }

// kernel: kernel.8.cloned.1.call-start
scs
__scs_entry_jumppad:
0x0: {  	(pc) =	sbr.rel $0x88, $3  }
0x1: {  	(tag) =	ssettag $0x0;
	lr =	simm.s32 $0x1  }
0x2: {  	[smem:$0x3F9B] =	sst lr;
	_ =	strace $0xD0000000  }
0x3: {  	_ = 	snop  }
0x4: {  	_ = 	snop  }
0x5: {  	_ = 	snop  }
0x6: {  	_ = 	snop  }
0x7: {  	_ = 	snop  }
__scs_overlays_trampoline_lowered:
0x8: {  	[smem:$0x3FAA] =	sst s0  }
0x9: {  	[smem:$0x3FAB] =	sst s1  }
0xa: {  	[smem:$0x3FAC] =	sst s2  }
0xb: {  	[smem:$0x3FAD] =	sst s3  }
0xc: {  	[smem:$0x3FAE] =	sst s4  }
0xd: {  	[smem:$0x3FAF] =	sst s5  }
0xe: {  	[smem:$0x3FB0] =	sst s6  }
0xf: {  	[smem:$0x3FB1] =	sst s7  }
0x10: {  	[smem:$0x3FB2] =	sst s8  }
0x11: {  	[smem:$0x3FB3] =	sst s9;
	s0 =	simm.s32 @!p0 $0x0  }
0x12: {  	s1 =	sld [smem:$0x3F99];
	s0 =	simm.s32 @p0 $0x1  }
0x13: {  	[smem:$0x3FB4] =	sst s0;
	s0 =	simm.s32 @!p1 $0x0  }
0x14: {  	s2 =	sld [smem:$0x3F98];
	s0 =	simm.s32 @p1 $0x1  }
0x15: {  	[smem:$0x3FB5] =	sst s0;
	s0 =	simm.s32 @!p2 $0x0  }
0x16: {  	s3 =	sld [smem:$0x3FDB];
	s0 =	simm.s32 @p2 $0x1  }
0x17: {  	s4 =	simm.s32 $0x1BF5;
	[smem:$0x3FB7] =	sst s0  }
0x18: {  	s0 =	sld [smem:$0x3F9A];
	_ =	swait.ge [sflag:s4], $0x0  }
0x19: {  	s7 =	sld [smem:$0x3F9B]  }
0x1a: {  	s8 =	sadd.s32 $0xFFFFE003, lr  }
0x1b: {  	s9 =	sadd.s32 $0xFFFFFEF7, lr;
	s5 =	simm.s32 $0xFFFFFFFF;
	p2 =	slt.u32 s8, $0xFFFFF086  }
0x1c: {  	p1 =	slt.u32 s9, $0xF7A;
	s5 =	simm.s32 @!p2 $0x0  }
0x1d: {  	s5 =	simm.s32 @p1 $0x1;
	p0 =	seq.s32 s7, s2  }
0x1e: {  	s7 =	smul.u32 @!p0 $0xF7A, s2;
	p2 =	seq.s32 @!p0 s5, $0x0  }
0x1f: {  	s9 =	smul.u32 $0xF7A, s1;
	s8 =	simm.s32 @!p0 $0x1BF5;
	p2 =	por !p2, p0  }
0x20: {  	[sflag:s8] =	ssyncset.s32 @!p0 $0xFFFFF086;
	s6 =	sadd.s32 @!p0 s3, s7;
	s7 =	simm.s32 @!p0 $0x108  }
0x21: {  	s3 =	sadd.s32 s3, s9;
	s6 =	sadd.s32 @!p0 $0x88, s6;
	s7 =	simm.s32 @p2 $0x1082  }
0x22: {  	[simem:s7], [sflag:s8] =	dma.local @!p0 [hbm:s6], $0xF7A  }
0x23: {  	s9 =	sor.u32 $0xD0000000, s2;
	s6 =	simm.s32 $0x108;
	_ =	swait.ge @!p0 [sflag:s8], $0x0  }
0x24: {  	s3 =	sadd.s32 $0x88, s3;
	s6 =	simm.s32 @!p1 $0x1082;
	[sflag:s4] =	ssyncset.s32 $0xFFFFF086  }
0x25: {  	[simem:s6], [sflag:s4] =	dma.local [hbm:s3], $0xF7A  }
0x26: {  	[smem:$0x3F9B] =	sst s1;
	(tag) =	ssettag s2;
	_ =	strace s9  }
0x27: {  	s1 =	sld [smem:$0x3FAB]  }
0x28: {  	s2 =	sld [smem:$0x3FAC]  }
0x29: {  	s4 =	sld [smem:$0x3FAE]  }
0x2a: {  	p0 =	seq.s32 s5, $0x0;
	s5 =	sld [smem:$0x3FAF]  }
0x2b: {  	s6 =	sld [smem:$0x3FB0]  }
0x2c: {  	s7 =	sld [smem:$0x3FB1]  }
0x2d: {  	s3 =	simm.s32 $0x108;
	s8 =	sld [smem:$0x3FB2]  }
0x2e: {  	s3 =	simm.s32 @!p0 $0x1082;
	s9 =	sld [smem:$0x3FB3]  }
0x2f: {  	lr =	sadd.s32 s0, s3;
	s0 =	sld [smem:$0x3FAA]  }
0x30: {  	s3 =	sld [smem:$0x3FAD]  }
0x31: {  	[smem:$0x3FB6] =	sst s10  }
0x32: {  	s10 =	sld [smem:$0x3FB4];
	_ =	sdelay $0x3  }
0x33: {  	p0 =	seq.s32 s10, $0x1;
	s10 =	sld [smem:$0x3FB6];
	_ =	sdelay $0x3  }
0x34: {  	[smem:$0x3FB6] =	sst s10  }
0x35: {  	s10 =	sld [smem:$0x3FB5];
	_ =	sdelay $0x3  }
0x36: {  	p1 =	seq.s32 s10, $0x1;
	s10 =	sld [smem:$0x3FB6];
	_ =	sdelay $0x3  }
0x37: {  	[smem:$0x3FB6] =	sst s10  }
0x38: {  	s10 =	sld [smem:$0x3FB7]  }
0x39: {  	_ = 	snop;
	(pc) =	sbr.ind lr, $3  }
0x3a: {  	_ = 	snop  }
0x3b: {  	_ = 	snop  }
0x3c: {  	p2 =	seq.s32 s10, $0x1;
	s10 =	sld [smem:$0x3FB6]  }
0x3d: {  	_ =	shalt  }
0x3e: {  	_ =	shalt  }
0x3f: {  	_ =	shalt  }
0x40: {  	_ =	shalt  }
0x41: {  	_ =	shalt  }
0x42: {  	_ =	shalt  }
0x43: {  	_ =	shalt  }
0x44: {  	_ =	shalt  }
0x45: {  	_ =	shalt  }
0x46: {  	_ =	shalt  }
0x47: {  	_ =	shalt  }
0x48: {  	_ =	shalt  }
0x49: {  	_ =	shalt  }
0x4a: {  	_ =	shalt  }
0x4b: {  	_ =	shalt  }
0x4c: {  	_ =	shalt  }
0x4d: {  	_ =	shalt  }
0x4e: {  	_ =	shalt  }
0x4f: {  	_ =	shalt  }
0x50: {  	_ =	shalt  }
0x51: {  	_ =	shalt  }
0x52: {  	_ =	shalt  }
0x53: {  	_ =	shalt  }
0x54: {  	_ =	shalt  }
0x55: {  	_ =	shalt  }
0x56: {  	_ =	shalt  }
0x57: {  	_ =	shalt  }
0x58: {  	_ =	shalt  }
0x59: {  	_ =	shalt  }
0x5a: {  	_ =	shalt  }
0x5b: {  	_ =	shalt  }
0x5c: {  	_ =	shalt  }
0x5d: {  	_ =	shalt  }
0x5e: {  	_ =	shalt  }
0x5f: {  	_ =	shalt  }
0x60: {  	_ =	shalt  }
0x61: {  	_ =	shalt  }
0x62: {  	_ =	shalt  }
0x63: {  	_ =	shalt  }
0x64: {  	_ =	shalt  }
0x65: {  	_ =	shalt  }
0x66: {  	_ =	shalt  }
0x67: {  	_ =	shalt  }
0x68: {  	_ =	shalt  }
0x69: {  	_ =	shalt  }
0x6a: {  	_ =	shalt  }
0x6b: {  	_ =	shalt  }
0x6c: {  	_ =	shalt  }
0x6d: {  	_ =	shalt  }
0x6e: {  	_ =	shalt  }
0x6f: {  	_ =	shalt  }
0x70: {  	_ =	shalt  }
0x71: {  	_ =	shalt  }
0x72: {  	_ =	shalt  }
0x73: {  	_ =	shalt  }
0x74: {  	_ =	shalt  }
0x75: {  	_ =	shalt  }
0x76: {  	_ =	shalt  }
0x77: {  	_ =	shalt  }
0x78: {  	_ =	shalt  }
0x79: {  	_ =	shalt  }
0x7a: {  	_ =	shalt  }
0x7b: {  	_ =	shalt  }
0x7c: {  	_ =	shalt  }
0x7d: {  	_ =	shalt  }
0x7e: {  	_ =	shalt  }
0x7f: {  	_ =	shalt  }
0x80: {  	_ =	shalt  }
0x81: {  	_ =	shalt  }
0x82: {  	_ =	shalt  }
0x83: {  	_ =	shalt  }
0x84: {  	_ =	shalt  }
0x85: {  	_ =	shalt  }
0x86: {  	_ =	shalt  }
0x87: {  	_ =	shalt  }
.Lfunc_end0:
.L_simem_size_0:
called_computation_lowered:
.L_overlay_start_0:
0x88: {  	s2 =	sld [smem:$0x3FD9]  }
0x89: {  	s3 =	sld [smem:$0x3FFE];
	_ =	sdelay $0x1  }
0x8a: {  	s1 =	srdreg.scid  }
0x8b: {  	s0 =	sand.u32 $0x1, s1  }
0x8c: {  	s16 =	sshll.u32 s0, $0xA;
	s2 =	sadd.s32 s3, s2  }
0x8d: {  	s2 =	sadd.s32 s2, s16  }
0x8e: {  	[smem:$0x3FC2] =	sst s2  }
0x8f: {  	_ = 	snop  }
0x90: {  	(tm) =	ssettm $0x1  }
0x91: {  	s17 =	sld [smem:$0x3FFB];
	_ =	sdelay $0x3  }
0x92: {  	_ =	strace s17  }
0x93: {  	s2 =	sld [smem:$0x3FFC];
	_ =	sdelay $0x3  }
0x94: {  	_ =	strace s2  }
0x95: {  	s2 =	sld [smem:$0x3FFD];
	_ =	sdelay $0x3  }
0x96: {  	_ =	strace s2  }
0x97: {  	_ =	strace $0x8FFFFFFF  }
0x98: {  	s18 =	sld [smem:$0x3FDB];
	_ =	sdelay $0x1  }
0x99: {  	s19 =	simm.s32 $_scs_section_size  }
0x9a: {  	s4 =	simm.s32 $_size__tile_overlayer_lowered;
	s5 =	simm.s32 $_tile_overlayer_lowered  }
0x9b: {  	s22 =	simm.s32 $0x1BFF;
	s21 =	sshll.u32 s5, $0x1;
	s2 =	sadd.s32 s19, s18  }
0x9c: {  	s6 =	simm.s32 $0x0;
	s20 =	sshll.u32 s4, $0x1;
	s4 =	sadd.s32 s21, s2  }
0x9d: {  	[timem:s6], [sflag:s22] =	dma.local [hbm:s4], s20  }
0x9e: {  	_ =	swait.ge [sflag:s22], s20  }
0x9f: {  	s3 =	ssub.s32 $0x0, s20;
	[sflag:s22] =	ssyncset.done $0x0  }
0xa0: {  	[sflag:s22] =	ssyncadd.s32 s3;
	_ =	sdelay $0x1  }
0xa1: {  	s23 =	simm.s32 $0x1B8B  }
0xa2: {  	_ =	swait.ge [sflag:s23], $0x1  }
0xa3: {  	[sflag:s23] =	ssyncset.done $0x0  }
0xa4: {  	s25 =	simm.s32 $0x1B8E;
	s24 =	sld [smem:$0x3FFE];
	[sflag:s23] =	ssyncadd.s32 $0xFFFFFFFF  }
0xa5: {  	s26 =	simm.s32 $execute0_lowered;
	[smem:$0x3FD2] =	sst s25  }
0xa6: {  	s4 =	sshll.u32 s26, $0x1;
	_ =	strace $0x80000046;
	[dreg:$0x1] =	wrdreg $0xFFFFFFFF  }
0xa7: {  	s28 =	simm.s32 $_size_execute0_lowered;
	s2 =	sadd.s32 s2, s4;
	[dreg:$0x0] =	wrdreg $0x0  }
0xa8: {  	s4 =	sshll.u32 s28, $0x1;
	[dreg:$0x2] =	wrdreg s2  }
0xa9: {  	[dreg:$0x3] =	wrdreg s4  }
0xaa: {  	[dreg:$0x4] =	wrdreg $0xC0  }
0xab: {  	_ =	task [dreg:s6], $0x5FFFF  }
0xac: {  	[dreg:$0x1] =	wrdreg $0xFFFFFFFF  }
0xad: {  	[dreg:$0x0] =	wrdreg $0x60  }
0xae: {  	[dreg:$0x2] =	wrdreg s24  }
0xaf: {  	[dreg:$0x3] =	wrdreg $0x28800  }
0xb0: {  	[dreg:$0x4] =	wrdreg $0x9  }
0xb1: {  	_ =	task.clear_ibuf [dreg:s6], $0x5FFFF;
	_ =	strace $0x90000046  }
0xb2: {  	s29 =	simm.s32 $0x9;
	_ =	strace $0x80000048  }
0xb3: {  	_ =	swait.ge [sflag:s29], $0x1  }
0xb4: {  	[sflag:s29] =	ssyncadd.s32 $0xFFFFFFFF  }
0xb5: {  	_ =	strace $0x90000048  }
0xb6: {  	_ =	sfence  }
0xb7: {  	s30 =	sld [smem:$0x0];
	_ =	sdelay $0x2  }
0xb8: {  	s31 =	sshll.u32 s1, $0xD;
	s1 =	sshrl.u32 s1, $0x2  }
0xb9: {  	s3 =	sand.u32 $0x4000, s31;
	s1 =	sadd.s32 s1, s30  }
0xba: {  	s0 =	sor.u32 s3, s0;
	s1 =	sshll.u32 s1, $0x11  }
0xbb: {  	s0 =	sor.u32 s1, s0  }
0xbc: {  	s0 =	sadd.s32 $0x8F2B, s0  }
0xbd: {  	[sflag:s0] =	ssyncadd.remote.s32 $0x1  }
0xbe: {  	_ =	sfence.sel $0xFFFF  }
0xbf: {  	[dreg:$0x0] =	wrdreg $0xFFFFFFFF;
	(pc) =	sbr.abs _section_cstart, $3  }
0xc0: {  	[dreg:$0x1] =	wrdreg $0xFFFFFFFF  }
0xc1: {  	_ =	task.clear_ibuf [dreg:s6], $0x2FFFF;
	_ =	strace $0x9FFFFFFF  }
0xc2: {  	(tm) =	ssettm $0x7FFFFFFF  }
0xc3: {  	_ =	shalt  }
tec
execute0_lowered:
.L_overlay_start_1:
0x0: {  	(tag) =	ssettag $0x1  }
0x1: {  	s1 =	srdreg.scid;
	s6 =	rddreg [dreg:$0x0]  }
0x2: {  	s0 =	stileid.u32;
	s2 =	rddreg [dreg:$0x1]  }
0x3: {  	s3 =	simm.s32 $0x0;
	s12 =	simm.s32 $0x80;
	s4 =	smul.u32 $0x4E20, s0  }
0x4: {  	s13 =	simm.s32 $0x50;
	s14 =	simm.s32 $0x0;
	s8 =	smul.u32 $0x14000, s0  }
0x5: {  	s7 =	sand.u32 $0x1, s1;
	s1 =	rddreg [dreg:$0x2];
	s10 =	smul.u32 $0x50000, s0  }
0x6: {  	[smem:$0x7FF] =	sst s3;
	s31 =	sshll.u32 s0, $0x6;
	s5 =	smul.u32 $0x2710, s7  }
0x7: {  	s29 =	smul.u32 $0x140000, s7;
	_ =	strace $0x80000047;
	s7 =	ssub.s32 $0x2, s7  }
0x8: {  	s30 =	sshrl.u32 s7, $0x1;
	s10 =	sshrl.u32 s10, $0x2;
	s4 =	sadd.s32 s5, s4  }
0x9: {  	s8 =	sadd.s32 s8, s29;
	s5 =	sadd.s32 $0xC200, s6;
	s11 =	ssub.s32 s7, s30  }
0xa: {  	s10 =	sadd.s32 s10, s2;
	s4 =	sshrl.u32 s4, $0x3;
	s8 =	sshrl.u32 s8, $0x3  }
0xb: {  	s10 =	sshrl.u32 s10, $0x3;
	s9 =	sadd.s32 s4, s6;
	s8 =	sadd.s32 s8, s6  }
0xc: {  	s4 =	sadd.s32 $0xBC00, s6;
	s6 =	sor.u32 $0x1C01, s31;
	s7 =	sadd.s32 $0xEA00, s8  }
0xd: {  	s8 =	smax.u32 s11, $0x1;
	s9 =	sadd.s32 $0x1E00, s9;
	s11 =	simm.s32 $0x1  }
.LBB2_1:
0xe: {  	[spmem:s10], [sflag:s6] =	dma.local [hbm:s5], $0x2800  }
0xf: {  	_ =	swait.ge [sflag:s11], $0x2800  }
0x10: {  	[sflag:s11] =	ssyncset.done $0x0  }
0x11: {  	[sflag:s11] =	ssyncadd.s32 $0xFFFFD800  }
0x12: {  	[tilespmem:s12], [sflag:$0x1] =	stream.linear.gather [hbm4b:s4+s3], $0x2800, $0x38;
	[tilespmem:$0x5080] =	vst v63  }
0x13: {  	_ =	swait.ge [sflag:s11], $0x2800  }
0x14: {  	[sflag:s11] =	ssyncset.done $0x0  }
0x15: {  	[sflag:s11] =	ssyncadd.s32 $0xFFFFD800  }
0x16: {  	s15 =	sadd.s32 $0x0, s9;
	[bflag:$0x0] =	sbarrier.arrive $0xFFFF  }
0x17: {  	[tilespmem:s3], [sflag:$0x1] =	stream.linear.gather [hbm4b:s15+s3], $0x50, $0x38;
	[tilespmem:$0x5080] =	vst v63  }
0x18: {  	_ =	swait.ge [sflag:s11], $0x50  }
0x19: {  	[sflag:s11] =	ssyncset.done $0x0  }
0x1a: {  	[sflag:s11] =	ssyncadd.s32 $0xFFFFFFB0  }
0x1b: {  	[spmem:s2] =	stream.indirect.scatter.add.f32 [tilespmem:s12], [sflag:$0x1], $0x10, s3, s13, $0xb8;
	[tilespmem:$0x5080] =	vst v63  }
0x1c: {  	_ =	swait.ge [sflag:s11], $0x500  }
0x1d: {  	s16 =	simm.s32 $0x14;
	s15 =	simm.s32 $0xA;
	[sflag:s11] =	ssyncset.done $0x0  }
.LBB2_2:
0x1e: {  	s17 =	sadd.s32 s15, s9  }
0x1f: {  	[sflag:s11] =	ssyncadd.s32 $0xFFFFFB00;
	s15 =	smov.u32 s16;
	s18 =	sadd.s32 $0xA, s16  }
0x20: {  	[tilespmem:s3], [sflag:$0x1] =	stream.linear.gather [hbm4b:s17+s3], $0x50, $0x38;
	[tilespmem:$0x5080] =	vst v63  }
0x21: {  	p0 =	sne.s32 s16, $0x4D8;
	_ =	swait.ge [sflag:s11], $0x50  }
.Ltmp0:
0x22: {  	[sflag:s11] =	ssyncset.done $0x0;
	(pc) =	sbr.rel @p0 .LBB2_2-.Ltmp0, $4  }
0x23: {  	[sflag:s11] =	ssyncadd.s32 $0xFFFFFFB0  }
0x24: {  	[spmem:s2] =	stream.indirect.scatter.add.f32 [tilespmem:s12], [sflag:$0x1], $0x10, s3, s13, $0xb8;
	[tilespmem:$0x5080] =	vst v63  }
0x25: {  	_ =	swait.ge [sflag:s11], $0x500  }
0x26: {  	s16 =	smov.u32 s18;
	[sflag:s11] =	ssyncset.done $0x0  }
0x27: {  	s15 =	sadd.s32 s15, s9;
	[sflag:s11] =	ssyncadd.s32 $0xFFFFFB00  }
0x28: {  	[tilespmem:s3], [sflag:$0x1] =	stream.linear.gather [hbm4b:s15+s3], $0x50, $0x38;
	[tilespmem:$0x5080] =	vst v63  }
0x29: {  	_ =	swait.ge [sflag:s11], $0x50  }
0x2a: {  	[sflag:s11] =	ssyncset.done $0x0  }
0x2b: {  	[sflag:s11] =	ssyncadd.s32 $0xFFFFFFB0  }
0x2c: {  	[spmem:s2] =	stream.indirect.scatter.add.f32 [tilespmem:s12], [sflag:$0x1], $0x10, s3, s13, $0xb8;
	[tilespmem:$0x5080] =	vst v63  }
0x2d: {  	_ =	swait.ge [sflag:s11], $0x500  }
0x2e: {  	s14 =	sadd.s32 $0x1, s14;
	[sflag:s11] =	ssyncset.done $0x0  }
0x2f: {  	p0 =	sne.s32 s14, s8;
	[sflag:s11] =	ssyncadd.s32 $0xFFFFFB00  }
.Ltmp1:
0x30: {  	[bflag:$0x0] =	sbarrier.arrive $0xFFFF;
	(pc) =	sbr.rel @p0 .LBB2_1-.Ltmp1, $4  }
0x31: {  	[hbm:s7], [sflag:s6] =	dma.local [spmem:s10], $0x2800  }
0x32: {  	_ =	swait.ge [sflag:s11], $0x2800  }
0x33: {  	[sflag:s11] =	ssyncset.done $0x0  }
0x34: {  	[sflag:s11] =	ssyncadd.s32 $0xFFFFD800  }
0x35: {  	_ =	sfence.sel $0x180000  }
0x36: {  	[bflag:$0x0] =	sbarrier.arrive $0xFFFF  }
0x37: {  	p0 =	sne.s32 s0, $0x0;
	_ =	strace $0x90000047  }
0x38: {  	s0 =	sadd.s32 @!p0 $0x100000, s1;
	[bflag:$0x2] =	sbarrier.arrive $0xFFFF  }
0x39: {  	[sflag:s0] =	ssyncadd.tile.s32 @!p0 $0x1;
	_ =	shalt  }
.Lfunc_end2:
_tile_overlayer_lowered:
.L_overlay_start_2:
0x3a: {  	(tag) =	ssettag $0x2  }
0x3b: {  	s0 =	rddreg [dreg:$0x0];
	s2 =	stileid.u32  }
0x3c: {  	s1 =	rddreg [dreg:$0x1];
	p0 =	sne.s32 s2, $0x0  }
0x3d: {  	s3 =	rddreg [dreg:$0x2];
	[bflag:$0x3] =	sbarrier.arrive $0xFFFF;
	s2 =	simm.s32 @!p0 $0x1C01  }
0x3e: {  	[timem:s3], [sflag:s2] =	dma.local @!p0 [hbm:s0], s1  }
0x3f: {  	s0 =	simm.s32 @!p0 $0x1  }
0x40: {  	_ =	swait.ge @!p0 [sflag:s0], s1  }
0x41: {  	s1 =	ssub.s32 @!p0 $0x0, s1;
	[sflag:s0] =	ssyncset.done @!p0 $0x0  }
0x42: {  	[sflag:s0] =	ssyncadd.s32 @!p0 s1  }
0x43: {  	[bflag:$0x3] =	sbarrier.arrive $0xFFFF  }
0x44: {  	_ =	shalt  }

</sc_bundles>
